<compile_context>
chip_gen: v7x
topology: tpu7x:2x2x1
jax: 0.10.2.dev20260603
libtpu: 0.0.44.dev20260713+nightly
codegen_flags: <defaults>
</compile_context>

<pallas_src>
import functools

import jax
import jax.numpy as jnp
from jax import lax
from jax.experimental import pallas as pl
from jax.experimental.pallas import tpu as pltpu
from jax.experimental.pallas import tpu_sc as plsc

N = 10000
E = 160000
IN_DIM = 1024
HID = 256
BN_SCALE = 1.0 / (1.0 + 1e-5) ** 0.5

_NSC = 2
_NTILE = 16
_K = 128
_NCH = E // _K
_NPAD = 10112
_ROWS_PER_TILE = _NPAD // _NTILE

_PREC = jax.lax.Precision.DEFAULT


def _dotT(a, w):
    return lax.dot_general(a, w, (((1,), (1,)), ((), ())),
                           preferred_element_type=jnp.float32,
                           precision=_PREC)



def _emb_body(x_ref, w_ref, b_ref, o0_ref, o1_ref):
    y = _dotT(x_ref[...], w_ref[...]) + b_ref[...]
    o0_ref[...] = y[:, :128]
    o1_ref[...] = y[:, 128:]


def _emb(x, w, b2):
    R = 1000
    return pl.pallas_call(
        _emb_body,
        grid=(N // R,),
        in_specs=[
            pl.BlockSpec((R, IN_DIM), lambda i: (i, 0)),
            pl.BlockSpec((HID, IN_DIM), lambda i: (0, 0)),
            pl.BlockSpec((1, HID), lambda i: (0, 0)),
        ],
        out_specs=[pl.BlockSpec((R, 128), lambda i: (i, 0)),
                   pl.BlockSpec((R, 128), lambda i: (i, 0))],
        out_shape=[jax.ShapeDtypeStruct((N, 128), jnp.float32),
                   jax.ShapeDtypeStruct((N, 128), jnp.float32)],
    )(x, w, b2)


def _node_apply_body(h0_ref, h1_ref, c0_ref, c1_ref, p0_ref, p1_ref,
                     w_ref, b_ref, o0_ref, o1_ref):
    h0 = h0_ref[...]
    h1 = h1_ref[...]
    deg = jnp.maximum(p0_ref[0, :, 0:1] + p1_ref[0, :, 0:1], 1.0)
    dinv = 1.0 / deg
    w = w_ref[...]
    z = (_dotT(h0, w[:, 0:128])
         + _dotT(h1, w[:, 128:HID])
         + _dotT(c0_ref[0] * dinv, w[:, HID:HID + 128])
         + _dotT(c1_ref[0] * dinv, w[:, HID + 128:HID + 256])
         + b_ref[...])
    nrm = jnp.sqrt(jnp.sum(z * z, axis=1, keepdims=True))
    z = jnp.maximum(z / jnp.maximum(nrm, 1e-12), 0.0) * BN_SCALE
    o0_ref[...] = h0 + z[:, :128]
    o1_ref[...] = h1 + z[:, 128:]


def _node_apply(h0, h1, cs, degp, w, b2):
    R = 1000
    return pl.pallas_call(
        _node_apply_body,
        grid=(N // R,),
        in_specs=[
            pl.BlockSpec((R, 128), lambda i: (i, 0)),
            pl.BlockSpec((R, 128), lambda i: (i, 0)),
            pl.BlockSpec((1, R, 128), lambda i: (0, i, 0)),
            pl.BlockSpec((1, R, 128), lambda i: (1, i, 0)),
            pl.BlockSpec((1, R, 128), lambda i: (0, i, 0)),
            pl.BlockSpec((1, R, 128), lambda i: (1, i, 0)),
            pl.BlockSpec((HID, 2 * HID), lambda i: (0, 0)),
            pl.BlockSpec((1, HID), lambda i: (0, 0)),
        ],
        out_specs=[pl.BlockSpec((R, 128), lambda i: (i, 0)),
                   pl.BlockSpec((R, 128), lambda i: (i, 0))],
        out_shape=[jax.ShapeDtypeStruct((N, 128), jnp.float32),
                   jax.ShapeDtypeStruct((N, 128), jnp.float32)],
    )(h0, h1, cs, cs, degp, degp, w, b2)


def _readout_body(h0_ref, h1_ref, w0_ref, b0_ref, w1_ref, b1_ref, w2_ref,
                  b2_ref, o_ref):
    w0 = w0_ref[...]
    y = jnp.maximum(_dotT(h0_ref[...], w0[:, :128])
                    + _dotT(h1_ref[...], w0[:, 128:]) + b0_ref[...], 0.0)
    y = jnp.maximum(_dotT(y, w1_ref[...]) + b1_ref[...], 0.0)
    o_ref[...] = _dotT(y, w2_ref[...]) + b2_ref[...]


def _readout(h0, h1, w0, b0, w1, b1, w2, b2):
    R = 1000
    return pl.pallas_call(
        _readout_body,
        grid=(N // R,),
        in_specs=[
            pl.BlockSpec((R, 128), lambda i: (i, 0)),
            pl.BlockSpec((R, 128), lambda i: (i, 0)),
            pl.BlockSpec((128, HID), lambda i: (0, 0)),
            pl.BlockSpec((1, 128), lambda i: (0, 0)),
            pl.BlockSpec((64, 128), lambda i: (0, 0)),
            pl.BlockSpec((1, 64), lambda i: (0, 0)),
            pl.BlockSpec((2, 64), lambda i: (0, 0)),
            pl.BlockSpec((1, 2), lambda i: (0, 0)),
        ],
        out_specs=pl.BlockSpec((R, 2), lambda i: (i, 0)),
        out_shape=jax.ShapeDtypeStruct((N, 2), jnp.float32),
    )(h0, h1, w0, b0, w1, b1, w2, b2)



def _sc_mesh():
    return plsc.VectorSubcoreMesh(core_axis_name="c", subcore_axis_name="s",
                                  num_cores=_NSC, num_subcores=_NTILE)


@functools.cache
def _make_segsum():
    return functools.partial(
        pl.kernel,
        out_type=jax.ShapeDtypeStruct((_NSC, _NPAD, 128), jnp.float32),
        mesh=_sc_mesh(),
        scratch_types=[
            pltpu.VMEM_SHARED((_NPAD, 128), jnp.float32),
            pltpu.VMEM((_K,), jnp.int32),
            pltpu.VMEM((_K,), jnp.int32),
            pltpu.VMEM((_K, 128), jnp.float32),
            pltpu.SemaphoreType.DMA,
        ],
    )(_segsum_body)


def _segsum(h0, h1, src, dst, zeros):
    return _make_segsum()(h0, h1, src, dst, zeros)


def _segsum_body(h0_hbm, h1_hbm, src_hbm, dst_hbm, zeros_hbm, out_hbm,
                 acc, gidx, sidx, rows, sem):
    c = lax.axis_index("c")
    s = lax.axis_index("s")
    r0 = s * _ROWS_PER_TILE
    pltpu.sync_copy(zeros_hbm.at[pl.ds(r0, _ROWS_PER_TILE)],
                    acc.at[pl.ds(r0, _ROWS_PER_TILE)])
    plsc.subcore_barrier()

    def body(i, carry):
        ch = s + i * _NTILE

        @pl.when(ch < _NCH)
        def _():
            e0 = ch * _K
            pltpu.sync_copy(src_hbm.at[pl.ds(e0, _K)], gidx)
            pltpu.sync_copy(dst_hbm.at[pl.ds(e0, _K)], sidx)

            @pl.when(c == 0)
            def _():
                pltpu.async_copy(h0_hbm.at[gidx], rows, sem).wait()

            @pl.when(c == 1)
            def _():
                pltpu.async_copy(h1_hbm.at[gidx], rows, sem).wait()

            pltpu.sync_copy(rows, acc.at[sidx], add=True)

        return carry

    lax.fori_loop(0, (_NCH + _NTILE - 1) // _NTILE, body, 0)
    plsc.subcore_barrier()
    pltpu.sync_copy(acc.at[pl.ds(r0, _ROWS_PER_TILE)],
                    out_hbm.at[c, pl.ds(r0, _ROWS_PER_TILE)])


@functools.cache
def _make_deg():
    return functools.partial(
        pl.kernel,
        out_type=jax.ShapeDtypeStruct((_NSC, _NPAD, 128), jnp.float32),
        mesh=_sc_mesh(),
        scratch_types=[
            pltpu.VMEM_SHARED((_NPAD, 128), jnp.float32),
            pltpu.VMEM((_K,), jnp.int32),
            pltpu.VMEM((_K, 128), jnp.float32),
        ],
    )(_deg_body)


def _deg(dst, ones, zeros):
    return _make_deg()(dst, ones, zeros)


def _deg_body(dst_hbm, ones_hbm, zeros_hbm, out_hbm, acc, sidx, ones):
    c = lax.axis_index("c")
    s = lax.axis_index("s")
    r0 = s * _ROWS_PER_TILE
    pltpu.sync_copy(zeros_hbm.at[pl.ds(r0, _ROWS_PER_TILE)],
                    acc.at[pl.ds(r0, _ROWS_PER_TILE)])
    pltpu.sync_copy(ones_hbm, ones)
    plsc.subcore_barrier()
    half = _NCH // _NSC

    def body(i, carry):
        k = s + i * _NTILE

        @pl.when(k < half)
        def _():
            e0 = (c + _NSC * k) * _K
            pltpu.sync_copy(dst_hbm.at[pl.ds(e0, _K)], sidx)
            pltpu.sync_copy(ones, acc.at[sidx], add=True)

        return carry

    lax.fori_loop(0, (half + _NTILE - 1) // _NTILE, body, 0)
    plsc.subcore_barrier()
    pltpu.sync_copy(acc.at[pl.ds(r0, _ROWS_PER_TILE)],
                    out_hbm.at[c, pl.ds(r0, _ROWS_PER_TILE)])



def kernel(x, edge_index, W_emb, b_emb, W0, b0, W1, b1, W2, b2, W3, b3,
           Wm0, bm0, Wm1, bm1, Wm2, bm2):
    src = edge_index[0].astype(jnp.int32)
    dst = edge_index[1].astype(jnp.int32)
    zeros128 = jnp.zeros((_NPAD, 128), jnp.float32)
    ones128 = jnp.zeros((_K, 128), jnp.float32).at[:, 0].set(1.0)

    degp = _deg(dst, ones128, zeros128)
    h0, h1 = _emb(x, W_emb, b_emb.reshape(1, -1))
    for W, b in ((W0, b0), (W1, b1), (W2, b2), (W3, b3)):
        cs = _segsum(h0, h1, src, dst, zeros128)
        h0, h1 = _node_apply(h0, h1, cs, degp, W, b.reshape(1, -1))
    return _readout(h0, h1, Wm0, bm0.reshape(1, -1), Wm1,
                    bm1.reshape(1, -1), Wm2, bm2.reshape(1, -1))

# --- scband reference (transcript-rebuilt; emitter-appended) ---
"""Pipeline reference for scband-graph-sage-net-88673894793291 (READ-ONLY COPY).

The authoritative reference and input builder live on the scoring server;
editing this copy changes nothing except your own understanding.
"""

import jax, jax.numpy as jnp
import numpy as np

N = 10000
E = 160000
IN_DIM = 1024
HID = 256
OUT = 256
NC = 2
L = 4
BN_EPS = 1e-5


def setup_inputs(seed: int = 0) -> dict:
    key = jax.random.key(seed)
    ks = jax.random.split(key, 24)
    inp = {}
    inp["x"] = jax.random.normal(ks[0], (N, IN_DIM), dtype=jnp.float32)
    src = jax.random.randint(ks[1], (E,), 0, N)
    dst = jax.random.randint(ks[2], (E,), 0, N)
    inp["edge_index"] = jnp.stack([src, dst], axis=0).astype(jnp.int64)
    # embedding_h: Linear(1024 -> 256)
    inp["W_emb"] = jax.random.normal(ks[3], (HID, IN_DIM), dtype=jnp.float32) * 0.02
    inp["b_emb"] = jnp.zeros((HID,), dtype=jnp.float32)
    # 4 GraphSageLayers, NodeApply linear: Linear(2*HID -> HID)
    for l in range(L):
        inp[f"W{l}"] = jax.random.normal(ks[4 + l], (HID, 2 * HID), dtype=jnp.float32) * 0.05
        inp[f"b{l}"] = jnp.zeros((HID,), dtype=jnp.float32)
    # MLPReadout: 256 -> 128 -> 64 -> 2
    inp["Wm0"] = jax.random.normal(ks[10], (128, OUT), dtype=jnp.float32) * 0.05
    inp["bm0"] = jnp.zeros((128,), dtype=jnp.float32)
    inp["Wm1"] = jax.random.normal(ks[11], (64, 128), dtype=jnp.float32) * 0.05
    inp["bm1"] = jnp.zeros((64,), dtype=jnp.float32)
    inp["Wm2"] = jax.random.normal(ks[12], (NC, 64), dtype=jnp.float32) * 0.05
    inp["bm2"] = jnp.zeros((NC,), dtype=jnp.float32)
    return inp


def _l2_normalize(x, eps=1e-12):
    nrm = jnp.linalg.norm(x, axis=1, keepdims=True)
    return x / jnp.maximum(nrm, eps)


def reference(x, edge_index, W_emb, b_emb, W0, b0, W1, b1, W2, b2, W3, b3, Wm0, bm0, Wm1, bm1, Wm2, bm2):
    src = edge_index[0]
    dst = edge_index[1]
    n = x.shape[0]
    # h = embedding_h(h.float()); in_feat_dropout is eval-mode identity
    h = x @ W_emb.T + b_emb
    deg = jnp.zeros((n,), dtype=jnp.float32).at[dst].add(1.0)
    deg = jnp.maximum(deg, 1.0)
    Ws = [W0, W1, W2, W3]
    bs = [b0, b1, b2, b3]
    for W, b in zip(Ws, bs):
        h_in = h
        # mean aggregator over incoming messages (copy_src -> mean mailbox)
        msg = h[src]
        c = jnp.zeros((n, h.shape[1]), dtype=jnp.float32).at[dst].add(msg) / deg[:, None]
        # NodeApply: linear(concat(h, c)) -> L2 normalize -> relu
        bundle = jnp.concatenate([h, c], axis=1) @ W.T + b
        bundle = _l2_normalize(bundle)
        h = jax.nn.relu(bundle)
        # BatchNorm1d in eval mode with running_mean=0, running_var=1, gamma=1, beta=0
        h = h / jnp.sqrt(1.0 + BN_EPS)
        # residual
        h = h_in + h
    # MLPReadout
    y = jax.nn.relu(h @ Wm0.T + bm0)
    y = jax.nn.relu(y @ Wm1.T + bm1)
    y = y @ Wm2.T + bm2
    return y

if __name__ == "__main__":
    import jax
    _d = setup_inputs()
    print(jax.jit(kernel)(*tuple(_d.values())))

</pallas_src>

<mosaic_0001>
#map = affine_map<(d0, d1) -> (0)>
#map1 = affine_map<(d0, d1) -> (0, 0)>
#map2 = affine_map<(d0, d1) -> (0, 0, 0)>
module attributes {stable_mosaic.version = 14 : i64} {
  func.func @_deg_body(%arg0: i32, %arg1: i32, %arg2: memref<160000xi32, #tpu.memory_space<hbm>>, %arg3: memref<128x128xf32, #tpu.memory_space<hbm>>, %arg4: memref<10112x128xf32, #tpu.memory_space<hbm>>, %arg5: memref<2x10112x128xf32, #tpu.memory_space<hbm>>, %arg6: memref<10112x128xf32, #tpu.memory_space<vmem_shared>>, %arg7: memref<128xi32, #tpu.memory_space<vmem>>, %arg8: memref<128x128xf32, #tpu.memory_space<vmem>>) attributes {dimension_semantics = [#tpu.dimension_semantics<core_parallel>, #tpu.dimension_semantics<subcore_parallel>], iteration_bounds = array<i64: 2, 16>, scalar_prefetch = 0 : i64, scratch_operands = 3 : i64, tpu.core_type = #tpu.core_type<sc_vector_subcore>, window_params = [{transform_indices = #map}, {transform_indices = #map1}, {transform_indices = #map1}, {transform_indices = #map2}]} {
    %mul3A = arith.constant 632 : i32
    %mul3A_0 = arith.muli %arg1, %mul3A : i32
    "tpu.region"() ({
      %run_scoped3A = tpu.sem_alloc : memref<!tpu.dma_semaphore, #tpu.memory_space<semaphore_mem>>
      %dma_start3A = arith.constant 0 : i32
      %dma_start3A_7 = tpu.memref_slice %arg6[%mul3A_0, %dma_start3A] : memref<10112x128xf32, #tpu.memory_space<vmem_shared>> -> memref<632x128xf32, #tpu.memory_space<vmem_shared>>
      %dma_start3A_8 = arith.constant 0 : i32
      %dma_start3A_9 = tpu.memref_slice %arg4[%mul3A_0, %dma_start3A_8] : memref<10112x128xf32, #tpu.memory_space<hbm>> -> memref<632x128xf32, #tpu.memory_space<hbm>>
      tpu.enqueue_dma source(%dma_start3A_9 : memref<632x128xf32, #tpu.memory_space<hbm>>) target(%dma_start3A_7 : memref<632x128xf32, #tpu.memory_space<vmem_shared>>) target_semaphore(%run_scoped3A : memref<!tpu.dma_semaphore, #tpu.memory_space<semaphore_mem>>)
      %dma_wait3A = arith.constant 0 : i32
      %dma_wait3A_10 = tpu.memref_slice %arg6[%mul3A_0, %dma_wait3A] : memref<10112x128xf32, #tpu.memory_space<vmem_shared>> -> memref<632x128xf32, #tpu.memory_space<vmem_shared>>
      %dma_wait3A_11 = arith.constant 0 : i32
      %dma_wait3A_12 = tpu.memref_slice %arg4[%mul3A_0, %dma_wait3A_11] : memref<10112x128xf32, #tpu.memory_space<hbm>> -> memref<632x128xf32, #tpu.memory_space<hbm>>
      tpu.wait_dma2 semaphore(%run_scoped3A : memref<!tpu.dma_semaphore, #tpu.memory_space<semaphore_mem>>) src(%dma_wait3A_12 : memref<632x128xf32, #tpu.memory_space<hbm>>) dst(%dma_wait3A_10 : memref<632x128xf32, #tpu.memory_space<vmem_shared>>)
      tpu.yield
    }) : () -> ()
    "tpu.region"() ({
      %run_scoped3A = tpu.sem_alloc : memref<!tpu.dma_semaphore, #tpu.memory_space<semaphore_mem>>
      tpu.enqueue_dma source(%arg3 : memref<128x128xf32, #tpu.memory_space<hbm>>) target(%arg8 : memref<128x128xf32, #tpu.memory_space<vmem>>) target_semaphore(%run_scoped3A : memref<!tpu.dma_semaphore, #tpu.memory_space<semaphore_mem>>)
      tpu.wait_dma2 semaphore(%run_scoped3A : memref<!tpu.dma_semaphore, #tpu.memory_space<semaphore_mem>>) src(%arg3 : memref<128x128xf32, #tpu.memory_space<hbm>>) dst(%arg8 : memref<128x128xf32, #tpu.memory_space<vmem>>)
      tpu.yield
    }) : () -> ()
    %barrier3A = arith.constant 0 : index
    tpu.barrier barrier_id(%barrier3A)
    %scan3A = arith.constant 0 : i32
    %scan3A_1 = arith.constant 0 : i32
    %scan3A_2 = arith.constant 40 : i32
    %scan3A_3 = arith.addi %scan3A_1, %scan3A_2 : i32
    %scan3A_4 = arith.constant 1 : i32
    scf.for %scan3A_7 = %scan3A_1 to %scan3A_3 step %scan3A_4  : i32 {
      %mul3A_8 = arith.constant 16 : i32
      %mul3A_9 = arith.muli %scan3A_7, %mul3A_8 : i32
      %add3A = arith.addi %arg1, %mul3A_9 : i32
      %lt3A = arith.constant 625 : i32
      %lt3A_10 = arith.cmpi slt, %add3A, %lt3A : i32
      %convert_element_type3A = arith.extui %lt3A_10 : i1 to i32
      %cond3A = arith.constant 0 : i32
      %cond3A_11 = arith.cmpi ne, %convert_element_type3A, %cond3A : i32
      scf.if %cond3A_11 {
        %mul3A_12 = arith.constant 2 : i32
        %mul3A_13 = arith.muli %mul3A_12, %add3A : i32
        %add3A_14 = arith.addi %arg0, %mul3A_13 : i32
        %mul3A_15 = arith.constant 128 : i32
        %mul3A_16 = arith.muli %add3A_14, %mul3A_15 : i32
        "tpu.region"() ({
          %run_scoped3A = tpu.sem_alloc : memref<!tpu.dma_semaphore, #tpu.memory_space<semaphore_mem>>
          %dma_start3A = tpu.memref_slice %arg2[%mul3A_16] : memref<160000xi32, #tpu.memory_space<hbm>> -> memref<128xi32, #tpu.memory_space<hbm>>
          %dma_start3A_17 = tpu.memref_slice %arg2[%mul3A_16] : memref<160000xi32, #tpu.memory_space<hbm>> -> memref<128xi32, #tpu.memory_space<hbm>>
          tpu.enqueue_dma source(%dma_start3A_17 : memref<128xi32, #tpu.memory_space<hbm>>) target(%arg7 : memref<128xi32, #tpu.memory_space<vmem>>) target_semaphore(%run_scoped3A : memref<!tpu.dma_semaphore, #tpu.memory_space<semaphore_mem>>)
          %dma_wait3A = tpu.memref_slice %arg2[%mul3A_16] : memref<160000xi32, #tpu.memory_space<hbm>> -> memref<128xi32, #tpu.memory_space<hbm>>
          %dma_wait3A_18 = tpu.memref_slice %arg2[%mul3A_16] : memref<160000xi32, #tpu.memory_space<hbm>> -> memref<128xi32, #tpu.memory_space<hbm>>
          tpu.wait_dma2 semaphore(%run_scoped3A : memref<!tpu.dma_semaphore, #tpu.memory_space<semaphore_mem>>) src(%dma_wait3A_18 : memref<128xi32, #tpu.memory_space<hbm>>) dst(%arg7 : memref<128xi32, #tpu.memory_space<vmem>>)
          tpu.yield
        }) : () -> ()
        "tpu.region"() ({
          %run_scoped3A = tpu.sem_alloc : memref<!tpu.dma_semaphore, #tpu.memory_space<semaphore_mem>>
          %dma_start3A = arith.constant 0 : i32
          %dma_start3A_17 = arith.constant 0 : i32
          %dma_start3A_18 = tpu.memref_slice %arg6[%dma_start3A, %dma_start3A_17] : memref<10112x128xf32, #tpu.memory_space<vmem_shared>> -> memref<10112x128xf32, #tpu.memory_space<vmem_shared>>
          tpu.enqueue_indirect_dma source(%arg8 : memref<128x128xf32, #tpu.memory_space<vmem>>) target(%dma_start3A_18 : memref<10112x128xf32, #tpu.memory_space<vmem_shared>>) offsets(%arg7 : memref<128xi32, #tpu.memory_space<vmem>>) semaphore(%run_scoped3A : memref<!tpu.dma_semaphore, #tpu.memory_space<semaphore_mem>>) {add = true}
          %dma_wait3A = arith.constant 0 : i32
          %dma_wait3A_19 = arith.constant 0 : i32
          %dma_wait3A_20 = tpu.memref_slice %arg6[%dma_wait3A, %dma_wait3A_19] : memref<10112x128xf32, #tpu.memory_space<vmem_shared>> -> memref<10112x128xf32, #tpu.memory_space<vmem_shared>>
          tpu.wait_indirect_dma semaphore(%run_scoped3A : memref<!tpu.dma_semaphore, #tpu.memory_space<semaphore_mem>>) src(%arg8 : memref<128x128xf32, #tpu.memory_space<vmem>>) dst(%dma_wait3A_20 : memref<10112x128xf32, #tpu.memory_space<vmem_shared>>)
          tpu.yield
        }) : () -> ()
      } else {
      }
    }
    %scan3A_5 = arith.constant 40 : i32
    %barrier3A_6 = arith.constant 0 : index
    tpu.barrier barrier_id(%barrier3A_6)
    "tpu.region"() ({
      %run_scoped3A = tpu.sem_alloc : memref<!tpu.dma_semaphore, #tpu.memory_space<semaphore_mem>>
      %dma_start3A = arith.constant 0 : i32
      %dma_start3A_7 = tpu.memref_slice %arg5[%arg0, %mul3A_0, %dma_start3A] : memref<2x10112x128xf32, #tpu.memory_space<hbm>> -> memref<1x632x128xf32, #tpu.memory_space<hbm>>
      %dma_start3A_8 = tpu.memref_squeeze %dma_start3A_7 : memref<1x632x128xf32, #tpu.memory_space<hbm>> -> memref<632x128xf32, #tpu.memory_space<hbm>>
      %dma_start3A_9 = arith.constant 0 : i32
      %dma_start3A_10 = tpu.memref_slice %arg6[%mul3A_0, %dma_start3A_9] : memref<10112x128xf32, #tpu.memory_space<vmem_shared>> -> memref<632x128xf32, #tpu.memory_space<vmem_shared>>
      tpu.enqueue_dma source(%dma_start3A_10 : memref<632x128xf32, #tpu.memory_space<vmem_shared>>) target(%dma_start3A_8 : memref<632x128xf32, #tpu.memory_space<hbm>>) target_semaphore(%run_scoped3A : memref<!tpu.dma_semaphore, #tpu.memory_space<semaphore_mem>>)
      %dma_wait3A = arith.constant 0 : i32
      %dma_wait3A_11 = tpu.memref_slice %arg5[%arg0, %mul3A_0, %dma_wait3A] : memref<2x10112x128xf32, #tpu.memory_space<hbm>> -> memref<1x632x128xf32, #tpu.memory_space<hbm>>
      %dma_wait3A_12 = tpu.memref_squeeze %dma_wait3A_11 : memref<1x632x128xf32, #tpu.memory_space<hbm>> -> memref<632x128xf32, #tpu.memory_space<hbm>>
      %dma_wait3A_13 = arith.constant 0 : i32
      %dma_wait3A_14 = tpu.memref_slice %arg6[%mul3A_0, %dma_wait3A_13] : memref<10112x128xf32, #tpu.memory_space<vmem_shared>> -> memref<632x128xf32, #tpu.memory_space<vmem_shared>>
      tpu.wait_dma2 semaphore(%run_scoped3A : memref<!tpu.dma_semaphore, #tpu.memory_space<semaphore_mem>>) src(%dma_wait3A_14 : memref<632x128xf32, #tpu.memory_space<vmem_shared>>) dst(%dma_wait3A_12 : memref<632x128xf32, #tpu.memory_space<hbm>>)
      tpu.yield
    }) : () -> ()
    return
  }
}

#map = affine_map<(d0, d1) -> (0, 0)>
#map1 = affine_map<(d0, d1) -> (0)>
#map2 = affine_map<(d0, d1) -> (0, 0, 0)>
module attributes {stable_mosaic.version = 14 : i64} {
  func.func @_segsum_body(%arg0: i32, %arg1: i32, %arg2: memref<10000x128xf32, #tpu.memory_space<hbm>>, %arg3: memref<10000x128xf32, #tpu.memory_space<hbm>>, %arg4: memref<160000xi32, #tpu.memory_space<hbm>>, %arg5: memref<160000xi32, #tpu.memory_space<hbm>>, %arg6: memref<10112x128xf32, #tpu.memory_space<hbm>>, %arg7: memref<2x10112x128xf32, #tpu.memory_space<hbm>>, %arg8: memref<10112x128xf32, #tpu.memory_space<vmem_shared>>, %arg9: memref<128xi32, #tpu.memory_space<vmem>>, %arg10: memref<128xi32, #tpu.memory_space<vmem>>, %arg11: memref<128x128xf32, #tpu.memory_space<vmem>>, %arg12: memref<!tpu.dma_semaphore, #tpu.memory_space<semaphore_mem>>) attributes {dimension_semantics = [#tpu.dimension_semantics<core_parallel>, #tpu.dimension_semantics<subcore_parallel>], iteration_bounds = array<i64: 2, 16>, scalar_prefetch = 0 : i64, scratch_operands = 5 : i64, tpu.core_type = #tpu.core_type<sc_vector_subcore>, window_params = [{transform_indices = #map}, {transform_indices = #map}, {transform_indices = #map1}, {transform_indices = #map1}, {transform_indices = #map}, {transform_indices = #map2}]} {
    %mul3A = arith.constant 632 : i32
    %mul3A_0 = arith.muli %arg1, %mul3A : i32
    "tpu.region"() ({
      %run_scoped3A = tpu.sem_alloc : memref<!tpu.dma_semaphore, #tpu.memory_space<semaphore_mem>>
      %dma_start3A = arith.constant 0 : i32
      %dma_start3A_7 = tpu.memref_slice %arg8[%mul3A_0, %dma_start3A] : memref<10112x128xf32, #tpu.memory_space<vmem_shared>> -> memref<632x128xf32, #tpu.memory_space<vmem_shared>>
      %dma_start3A_8 = arith.constant 0 : i32
      %dma_start3A_9 = tpu.memref_slice %arg6[%mul3A_0, %dma_start3A_8] : memref<10112x128xf32, #tpu.memory_space<hbm>> -> memref<632x128xf32, #tpu.memory_space<hbm>>
      tpu.enqueue_dma source(%dma_start3A_9 : memref<632x128xf32, #tpu.memory_space<hbm>>) target(%dma_start3A_7 : memref<632x128xf32, #tpu.memory_space<vmem_shared>>) target_semaphore(%run_scoped3A : memref<!tpu.dma_semaphore, #tpu.memory_space<semaphore_mem>>)
      %dma_wait3A = arith.constant 0 : i32
      %dma_wait3A_10 = tpu.memref_slice %arg8[%mul3A_0, %dma_wait3A] : memref<10112x128xf32, #tpu.memory_space<vmem_shared>> -> memref<632x128xf32, #tpu.memory_space<vmem_shared>>
      %dma_wait3A_11 = arith.constant 0 : i32
      %dma_wait3A_12 = tpu.memref_slice %arg6[%mul3A_0, %dma_wait3A_11] : memref<10112x128xf32, #tpu.memory_space<hbm>> -> memref<632x128xf32, #tpu.memory_space<hbm>>
      tpu.wait_dma2 semaphore(%run_scoped3A : memref<!tpu.dma_semaphore, #tpu.memory_space<semaphore_mem>>) src(%dma_wait3A_12 : memref<632x128xf32, #tpu.memory_space<hbm>>) dst(%dma_wait3A_10 : memref<632x128xf32, #tpu.memory_space<vmem_shared>>)
      tpu.yield
    }) : () -> ()
    %barrier3A = arith.constant 0 : index
    tpu.barrier barrier_id(%barrier3A)
    %scan3A = arith.constant 0 : i32
    %scan3A_1 = arith.constant 0 : i32
    %scan3A_2 = arith.constant 79 : i32
    %scan3A_3 = arith.addi %scan3A_1, %scan3A_2 : i32
    %scan3A_4 = arith.constant 1 : i32
    scf.for %scan3A_7 = %scan3A_1 to %scan3A_3 step %scan3A_4  : i32 {
      %mul3A_8 = arith.constant 16 : i32
      %mul3A_9 = arith.muli %scan3A_7, %mul3A_8 : i32
      %add3A = arith.addi %arg1, %mul3A_9 : i32
      %lt3A = arith.constant 1250 : i32
      %lt3A_10 = arith.cmpi slt, %add3A, %lt3A : i32
      %convert_element_type3A = arith.extui %lt3A_10 : i1 to i32
      %cond3A = arith.constant 0 : i32
      %cond3A_11 = arith.cmpi ne, %convert_element_type3A, %cond3A : i32
      scf.if %cond3A_11 {
        %mul3A_12 = arith.constant 128 : i32
        %mul3A_13 = arith.muli %add3A, %mul3A_12 : i32
        "tpu.region"() ({
          %run_scoped3A = tpu.sem_alloc : memref<!tpu.dma_semaphore, #tpu.memory_space<semaphore_mem>>
          %dma_start3A = tpu.memref_slice %arg4[%mul3A_13] : memref<160000xi32, #tpu.memory_space<hbm>> -> memref<128xi32, #tpu.memory_space<hbm>>
          %dma_start3A_23 = tpu.memref_slice %arg4[%mul3A_13] : memref<160000xi32, #tpu.memory_space<hbm>> -> memref<128xi32, #tpu.memory_space<hbm>>
          tpu.enqueue_dma source(%dma_start3A_23 : memref<128xi32, #tpu.memory_space<hbm>>) target(%arg9 : memref<128xi32, #tpu.memory_space<vmem>>) target_semaphore(%run_scoped3A : memref<!tpu.dma_semaphore, #tpu.memory_space<semaphore_mem>>)
          %dma_wait3A = tpu.memref_slice %arg4[%mul3A_13] : memref<160000xi32, #tpu.memory_space<hbm>> -> memref<128xi32, #tpu.memory_space<hbm>>
          %dma_wait3A_24 = tpu.memref_slice %arg4[%mul3A_13] : memref<160000xi32, #tpu.memory_space<hbm>> -> memref<128xi32, #tpu.memory_space<hbm>>
          tpu.wait_dma2 semaphore(%run_scoped3A : memref<!tpu.dma_semaphore, #tpu.memory_space<semaphore_mem>>) src(%dma_wait3A_24 : memref<128xi32, #tpu.memory_space<hbm>>) dst(%arg9 : memref<128xi32, #tpu.memory_space<vmem>>)
          tpu.yield
        }) : () -> ()
        "tpu.region"() ({
          %run_scoped3A = tpu.sem_alloc : memref<!tpu.dma_semaphore, #tpu.memory_space<semaphore_mem>>
          %dma_start3A = tpu.memref_slice %arg5[%mul3A_13] : memref<160000xi32, #tpu.memory_space<hbm>> -> memref<128xi32, #tpu.memory_space<hbm>>
          %dma_start3A_23 = tpu.memref_slice %arg5[%mul3A_13] : memref<160000xi32, #tpu.memory_space<hbm>> -> memref<128xi32, #tpu.memory_space<hbm>>
          tpu.enqueue_dma source(%dma_start3A_23 : memref<128xi32, #tpu.memory_space<hbm>>) target(%arg10 : memref<128xi32, #tpu.memory_space<vmem>>) target_semaphore(%run_scoped3A : memref<!tpu.dma_semaphore, #tpu.memory_space<semaphore_mem>>)
          %dma_wait3A = tpu.memref_slice %arg5[%mul3A_13] : memref<160000xi32, #tpu.memory_space<hbm>> -> memref<128xi32, #tpu.memory_space<hbm>>
          %dma_wait3A_24 = tpu.memref_slice %arg5[%mul3A_13] : memref<160000xi32, #tpu.memory_space<hbm>> -> memref<128xi32, #tpu.memory_space<hbm>>
          tpu.wait_dma2 semaphore(%run_scoped3A : memref<!tpu.dma_semaphore, #tpu.memory_space<semaphore_mem>>) src(%dma_wait3A_24 : memref<128xi32, #tpu.memory_space<hbm>>) dst(%arg10 : memref<128xi32, #tpu.memory_space<vmem>>)
          tpu.yield
        }) : () -> ()
        %eq3A = arith.constant 0 : i32
        %eq3A_14 = arith.cmpi eq, %arg0, %eq3A : i32
        %convert_element_type3A_15 = arith.extui %eq3A_14 : i1 to i32
        %cond3A_16 = arith.constant 0 : i32
        %cond3A_17 = arith.cmpi ne, %convert_element_type3A_15, %cond3A_16 : i32
        scf.if %cond3A_17 {
          %dma_start3A = arith.constant 0 : i32
          %dma_start3A_23 = arith.constant 0 : i32
          %dma_start3A_24 = tpu.memref_slice %arg2[%dma_start3A, %dma_start3A_23] : memref<10000x128xf32, #tpu.memory_space<hbm>> -> memref<10000x128xf32, #tpu.memory_space<hbm>>
          tpu.enqueue_indirect_dma source(%dma_start3A_24 : memref<10000x128xf32, #tpu.memory_space<hbm>>) target(%arg11 : memref<128x128xf32, #tpu.memory_space<vmem>>) offsets(%arg9 : memref<128xi32, #tpu.memory_space<vmem>>) semaphore(%arg12 : memref<!tpu.dma_semaphore, #tpu.memory_space<semaphore_mem>>)
          %dma_wait3A = arith.constant 0 : i32
          %dma_wait3A_25 = arith.constant 0 : i32
          %dma_wait3A_26 = tpu.memref_slice %arg2[%dma_wait3A, %dma_wait3A_25] : memref<10000x128xf32, #tpu.memory_space<hbm>> -> memref<10000x128xf32, #tpu.memory_space<hbm>>
          tpu.wait_indirect_dma semaphore(%arg12 : memref<!tpu.dma_semaphore, #tpu.memory_space<semaphore_mem>>) src(%dma_wait3A_26 : memref<10000x128xf32, #tpu.memory_space<hbm>>) dst(%arg11 : memref<128x128xf32, #tpu.memory_space<vmem>>)
        } else {
        }
        %eq3A_18 = arith.constant 1 : i32
        %eq3A_19 = arith.cmpi eq, %arg0, %eq3A_18 : i32
        %convert_element_type3A_20 = arith.extui %eq3A_19 : i1 to i32
        %cond3A_21 = arith.constant 0 : i32
        %cond3A_22 = arith.cmpi ne, %convert_element_type3A_20, %cond3A_21 : i32
        scf.if %cond3A_22 {
          %dma_start3A = arith.constant 0 : i32
          %dma_start3A_23 = arith.constant 0 : i32
          %dma_start3A_24 = tpu.memref_slice %arg3[%dma_start3A, %dma_start3A_23] : memref<10000x128xf32, #tpu.memory_space<hbm>> -> memref<10000x128xf32, #tpu.memory_space<hbm>>
          tpu.enqueue_indirect_dma source(%dma_start3A_24 : memref<10000x128xf32, #tpu.memory_space<hbm>>) target(%arg11 : memref<128x128xf32, #tpu.memory_space<vmem>>) offsets(%arg9 : memref<128xi32, #tpu.memory_space<vmem>>) semaphore(%arg12 : memref<!tpu.dma_semaphore, #tpu.memory_space<semaphore_mem>>)
          %dma_wait3A = arith.constant 0 : i32
          %dma_wait3A_25 = arith.constant 0 : i32
          %dma_wait3A_26 = tpu.memref_slice %arg3[%dma_wait3A, %dma_wait3A_25] : memref<10000x128xf32, #tpu.memory_space<hbm>> -> memref<10000x128xf32, #tpu.memory_space<hbm>>
          tpu.wait_indirect_dma semaphore(%arg12 : memref<!tpu.dma_semaphore, #tpu.memory_space<semaphore_mem>>) src(%dma_wait3A_26 : memref<10000x128xf32, #tpu.memory_space<hbm>>) dst(%arg11 : memref<128x128xf32, #tpu.memory_space<vmem>>)
        } else {
        }
        "tpu.region"() ({
          %run_scoped3A = tpu.sem_alloc : memref<!tpu.dma_semaphore, #tpu.memory_space<semaphore_mem>>
          %dma_start3A = arith.constant 0 : i32
          %dma_start3A_23 = arith.constant 0 : i32
          %dma_start3A_24 = tpu.memref_slice %arg8[%dma_start3A, %dma_start3A_23] : memref<10112x128xf32, #tpu.memory_space<vmem_shared>> -> memref<10112x128xf32, #tpu.memory_space<vmem_shared>>
          tpu.enqueue_indirect_dma source(%arg11 : memref<128x128xf32, #tpu.memory_space<vmem>>) target(%dma_start3A_24 : memref<10112x128xf32, #tpu.memory_space<vmem_shared>>) offsets(%arg10 : memref<128xi32, #tpu.memory_space<vmem>>) semaphore(%run_scoped3A : memref<!tpu.dma_semaphore, #tpu.memory_space<semaphore_mem>>) {add = true}
          %dma_wait3A = arith.constant 0 : i32
          %dma_wait3A_25 = arith.constant 0 : i32
          %dma_wait3A_26 = tpu.memref_slice %arg8[%dma_wait3A, %dma_wait3A_25] : memref<10112x128xf32, #tpu.memory_space<vmem_shared>> -> memref<10112x128xf32, #tpu.memory_space<vmem_shared>>
          tpu.wait_indirect_dma semaphore(%run_scoped3A : memref<!tpu.dma_semaphore, #tpu.memory_space<semaphore_mem>>) src(%arg11 : memref<128x128xf32, #tpu.memory_space<vmem>>) dst(%dma_wait3A_26 : memref<10112x128xf32, #tpu.memory_space<vmem_shared>>)
          tpu.yield
        }) : () -> ()
      } else {
      }
    }
    %scan3A_5 = arith.constant 79 : i32
    %barrier3A_6 = arith.constant 0 : index
    tpu.barrier barrier_id(%barrier3A_6)
    "tpu.region"() ({
      %run_scoped3A = tpu.sem_alloc : memref<!tpu.dma_semaphore, #tpu.memory_space<semaphore_mem>>
      %dma_start3A = arith.constant 0 : i32
      %dma_start3A_7 = tpu.memref_slice %arg7[%arg0, %mul3A_0, %dma_start3A] : memref<2x10112x128xf32, #tpu.memory_space<hbm>> -> memref<1x632x128xf32, #tpu.memory_space<hbm>>
      %dma_start3A_8 = tpu.memref_squeeze %dma_start3A_7 : memref<1x632x128xf32, #tpu.memory_space<hbm>> -> memref<632x128xf32, #tpu.memory_space<hbm>>
      %dma_start3A_9 = arith.constant 0 : i32
      %dma_start3A_10 = tpu.memref_slice %arg8[%mul3A_0, %dma_start3A_9] : memref<10112x128xf32, #tpu.memory_space<vmem_shared>> -> memref<632x128xf32, #tpu.memory_space<vmem_shared>>
      tpu.enqueue_dma source(%dma_start3A_10 : memref<632x128xf32, #tpu.memory_space<vmem_shared>>) target(%dma_start3A_8 : memref<632x128xf32, #tpu.memory_space<hbm>>) target_semaphore(%run_scoped3A : memref<!tpu.dma_semaphore, #tpu.memory_space<semaphore_mem>>)
      %dma_wait3A = arith.constant 0 : i32
      %dma_wait3A_11 = tpu.memref_slice %arg7[%arg0, %mul3A_0, %dma_wait3A] : memref<2x10112x128xf32, #tpu.memory_space<hbm>> -> memref<1x632x128xf32, #tpu.memory_space<hbm>>
      %dma_wait3A_12 = tpu.memref_squeeze %dma_wait3A_11 : memref<1x632x128xf32, #tpu.memory_space<hbm>> -> memref<632x128xf32, #tpu.memory_space<hbm>>
      %dma_wait3A_13 = arith.constant 0 : i32
      %dma_wait3A_14 = tpu.memref_slice %arg8[%mul3A_0, %dma_wait3A_13] : memref<10112x128xf32, #tpu.memory_space<vmem_shared>> -> memref<632x128xf32, #tpu.memory_space<vmem_shared>>
      tpu.wait_dma2 semaphore(%run_scoped3A : memref<!tpu.dma_semaphore, #tpu.memory_space<semaphore_mem>>) src(%dma_wait3A_14 : memref<632x128xf32, #tpu.memory_space<vmem_shared>>) dst(%dma_wait3A_12 : memref<632x128xf32, #tpu.memory_space<hbm>>)
      tpu.yield
    }) : () -> ()
    return
  }
}

#map = affine_map<(d0, d1) -> (0, 0)>
#map1 = affine_map<(d0, d1) -> (0)>
#map2 = affine_map<(d0, d1) -> (0, 0, 0)>
module attributes {stable_mosaic.version = 14 : i64} {
  func.func @_segsum_body(%arg0: i32, %arg1: i32, %arg2: memref<10000x128xf32, #tpu.memory_space<hbm>>, %arg3: memref<10000x128xf32, #tpu.memory_space<hbm>>, %arg4: memref<160000xi32, #tpu.memory_space<hbm>>, %arg5: memref<160000xi32, #tpu.memory_space<hbm>>, %arg6: memref<10112x128xf32, #tpu.memory_space<hbm>>, %arg7: memref<2x10112x128xf32, #tpu.memory_space<hbm>>, %arg8: memref<10112x128xf32, #tpu.memory_space<vmem_shared>>, %arg9: memref<128xi32, #tpu.memory_space<vmem>>, %arg10: memref<128xi32, #tpu.memory_space<vmem>>, %arg11: memref<128x128xf32, #tpu.memory_space<vmem>>, %arg12: memref<!tpu.dma_semaphore, #tpu.memory_space<semaphore_mem>>) attributes {dimension_semantics = [#tpu.dimension_semantics<core_parallel>, #tpu.dimension_semantics<subcore_parallel>], iteration_bounds = array<i64: 2, 16>, scalar_prefetch = 0 : i64, scratch_operands = 5 : i64, tpu.core_type = #tpu.core_type<sc_vector_subcore>, window_params = [{transform_indices = #map}, {transform_indices = #map}, {transform_indices = #map1}, {transform_indices = #map1}, {transform_indices = #map}, {transform_indices = #map2}]} {
    %mul3A = arith.constant 632 : i32
    %mul3A_0 = arith.muli %arg1, %mul3A : i32
    "tpu.region"() ({
      %run_scoped3A = tpu.sem_alloc : memref<!tpu.dma_semaphore, #tpu.memory_space<semaphore_mem>>
      %dma_start3A = arith.constant 0 : i32
      %dma_start3A_7 = tpu.memref_slice %arg8[%mul3A_0, %dma_start3A] : memref<10112x128xf32, #tpu.memory_space<vmem_shared>> -> memref<632x128xf32, #tpu.memory_space<vmem_shared>>
      %dma_start3A_8 = arith.constant 0 : i32
      %dma_start3A_9 = tpu.memref_slice %arg6[%mul3A_0, %dma_start3A_8] : memref<10112x128xf32, #tpu.memory_space<hbm>> -> memref<632x128xf32, #tpu.memory_space<hbm>>
      tpu.enqueue_dma source(%dma_start3A_9 : memref<632x128xf32, #tpu.memory_space<hbm>>) target(%dma_start3A_7 : memref<632x128xf32, #tpu.memory_space<vmem_shared>>) target_semaphore(%run_scoped3A : memref<!tpu.dma_semaphore, #tpu.memory_space<semaphore_mem>>)
      %dma_wait3A = arith.constant 0 : i32
      %dma_wait3A_10 = tpu.memref_slice %arg8[%mul3A_0, %dma_wait3A] : memref<10112x128xf32, #tpu.memory_space<vmem_shared>> -> memref<632x128xf32, #tpu.memory_space<vmem_shared>>
      %dma_wait3A_11 = arith.constant 0 : i32
      %dma_wait3A_12 = tpu.memref_slice %arg6[%mul3A_0, %dma_wait3A_11] : memref<10112x128xf32, #tpu.memory_space<hbm>> -> memref<632x128xf32, #tpu.memory_space<hbm>>
      tpu.wait_dma2 semaphore(%run_scoped3A : memref<!tpu.dma_semaphore, #tpu.memory_space<semaphore_mem>>) src(%dma_wait3A_12 : memref<632x128xf32, #tpu.memory_space<hbm>>) dst(%dma_wait3A_10 : memref<632x128xf32, #tpu.memory_space<vmem_shared>>)
      tpu.yield
    }) : () -> ()
    %barrier3A = arith.constant 0 : index
    tpu.barrier barrier_id(%barrier3A)
    %scan3A = arith.constant 0 : i32
    %scan3A_1 = arith.constant 0 : i32
    %scan3A_2 = arith.constant 79 : i32
    %scan3A_3 = arith.addi %scan3A_1, %scan3A_2 : i32
    %scan3A_4 = arith.constant 1 : i32
    scf.for %scan3A_7 = %scan3A_1 to %scan3A_3 step %scan3A_4  : i32 {
      %mul3A_8 = arith.constant 16 : i32
      %mul3A_9 = arith.muli %scan3A_7, %mul3A_8 : i32
      %add3A = arith.addi %arg1, %mul3A_9 : i32
      %lt3A = arith.constant 1250 : i32
      %lt3A_10 = arith.cmpi slt, %add3A, %lt3A : i32
      %convert_element_type3A = arith.extui %lt3A_10 : i1 to i32
      %cond3A = arith.constant 0 : i32
      %cond3A_11 = arith.cmpi ne, %convert_element_type3A, %cond3A : i32
      scf.if %cond3A_11 {
        %mul3A_12 = arith.constant 128 : i32
        %mul3A_13 = arith.muli %add3A, %mul3A_12 : i32
        "tpu.region"() ({
          %run_scoped3A = tpu.sem_alloc : memref<!tpu.dma_semaphore, #tpu.memory_space<semaphore_mem>>
          %dma_start3A = tpu.memref_slice %arg4[%mul3A_13] : memref<160000xi32, #tpu.memory_space<hbm>> -> memref<128xi32, #tpu.memory_space<hbm>>
          %dma_start3A_23 = tpu.memref_slice %arg4[%mul3A_13] : memref<160000xi32, #tpu.memory_space<hbm>> -> memref<128xi32, #tpu.memory_space<hbm>>
          tpu.enqueue_dma source(%dma_start3A_23 : memref<128xi32, #tpu.memory_space<hbm>>) target(%arg9 : memref<128xi32, #tpu.memory_space<vmem>>) target_semaphore(%run_scoped3A : memref<!tpu.dma_semaphore, #tpu.memory_space<semaphore_mem>>)
          %dma_wait3A = tpu.memref_slice %arg4[%mul3A_13] : memref<160000xi32, #tpu.memory_space<hbm>> -> memref<128xi32, #tpu.memory_space<hbm>>
          %dma_wait3A_24 = tpu.memref_slice %arg4[%mul3A_13] : memref<160000xi32, #tpu.memory_space<hbm>> -> memref<128xi32, #tpu.memory_space<hbm>>
          tpu.wait_dma2 semaphore(%run_scoped3A : memref<!tpu.dma_semaphore, #tpu.memory_space<semaphore_mem>>) src(%dma_wait3A_24 : memref<128xi32, #tpu.memory_space<hbm>>) dst(%arg9 : memref<128xi32, #tpu.memory_space<vmem>>)
          tpu.yield
        }) : () -> ()
        "tpu.region"() ({
          %run_scoped3A = tpu.sem_alloc : memref<!tpu.dma_semaphore, #tpu.memory_space<semaphore_mem>>
          %dma_start3A = tpu.memref_slice %arg5[%mul3A_13] : memref<160000xi32, #tpu.memory_space<hbm>> -> memref<128xi32, #tpu.memory_space<hbm>>
          %dma_start3A_23 = tpu.memref_slice %arg5[%mul3A_13] : memref<160000xi32, #tpu.memory_space<hbm>> -> memref<128xi32, #tpu.memory_space<hbm>>
          tpu.enqueue_dma source(%dma_start3A_23 : memref<128xi32, #tpu.memory_space<hbm>>) target(%arg10 : memref<128xi32, #tpu.memory_space<vmem>>) target_semaphore(%run_scoped3A : memref<!tpu.dma_semaphore, #tpu.memory_space<semaphore_mem>>)
          %dma_wait3A = tpu.memref_slice %arg5[%mul3A_13] : memref<160000xi32, #tpu.memory_space<hbm>> -> memref<128xi32, #tpu.memory_space<hbm>>
          %dma_wait3A_24 = tpu.memref_slice %arg5[%mul3A_13] : memref<160000xi32, #tpu.memory_space<hbm>> -> memref<128xi32, #tpu.memory_space<hbm>>
          tpu.wait_dma2 semaphore(%run_scoped3A : memref<!tpu.dma_semaphore, #tpu.memory_space<semaphore_mem>>) src(%dma_wait3A_24 : memref<128xi32, #tpu.memory_space<hbm>>) dst(%arg10 : memref<128xi32, #tpu.memory_space<vmem>>)
          tpu.yield
        }) : () -> ()
        %eq3A = arith.constant 0 : i32
        %eq3A_14 = arith.cmpi eq, %arg0, %eq3A : i32
        %convert_element_type3A_15 = arith.extui %eq3A_14 : i1 to i32
        %cond3A_16 = arith.constant 0 : i32
        %cond3A_17 = arith.cmpi ne, %convert_element_type3A_15, %cond3A_16 : i32
        scf.if %cond3A_17 {
          %dma_start3A = arith.constant 0 : i32
          %dma_start3A_23 = arith.constant 0 : i32
          %dma_start3A_24 = tpu.memref_slice %arg2[%dma_start3A, %dma_start3A_23] : memref<10000x128xf32, #tpu.memory_space<hbm>> -> memref<10000x128xf32, #tpu.memory_space<hbm>>
          tpu.enqueue_indirect_dma source(%dma_start3A_24 : memref<10000x128xf32, #tpu.memory_space<hbm>>) target(%arg11 : memref<128x128xf32, #tpu.memory_space<vmem>>) offsets(%arg9 : memref<128xi32, #tpu.memory_space<vmem>>) semaphore(%arg12 : memref<!tpu.dma_semaphore, #tpu.memory_space<semaphore_mem>>)
          %dma_wait3A = arith.constant 0 : i32
          %dma_wait3A_25 = arith.constant 0 : i32
          %dma_wait3A_26 = tpu.memref_slice %arg2[%dma_wait3A, %dma_wait3A_25] : memref<10000x128xf32, #tpu.memory_space<hbm>> -> memref<10000x128xf32, #tpu.memory_space<hbm>>
          tpu.wait_indirect_dma semaphore(%arg12 : memref<!tpu.dma_semaphore, #tpu.memory_space<semaphore_mem>>) src(%dma_wait3A_26 : memref<10000x128xf32, #tpu.memory_space<hbm>>) dst(%arg11 : memref<128x128xf32, #tpu.memory_space<vmem>>)
        } else {
        }
        %eq3A_18 = arith.constant 1 : i32
        %eq3A_19 = arith.cmpi eq, %arg0, %eq3A_18 : i32
        %convert_element_type3A_20 = arith.extui %eq3A_19 : i1 to i32
        %cond3A_21 = arith.constant 0 : i32
        %cond3A_22 = arith.cmpi ne, %convert_element_type3A_20, %cond3A_21 : i32
        scf.if %cond3A_22 {
          %dma_start3A = arith.constant 0 : i32
          %dma_start3A_23 = arith.constant 0 : i32
          %dma_start3A_24 = tpu.memref_slice %arg3[%dma_start3A, %dma_start3A_23] : memref<10000x128xf32, #tpu.memory_space<hbm>> -> memref<10000x128xf32, #tpu.memory_space<hbm>>
          tpu.enqueue_indirect_dma source(%dma_start3A_24 : memref<10000x128xf32, #tpu.memory_space<hbm>>) target(%arg11 : memref<128x128xf32, #tpu.memory_space<vmem>>) offsets(%arg9 : memref<128xi32, #tpu.memory_space<vmem>>) semaphore(%arg12 : memref<!tpu.dma_semaphore, #tpu.memory_space<semaphore_mem>>)
          %dma_wait3A = arith.constant 0 : i32
          %dma_wait3A_25 = arith.constant 0 : i32
          %dma_wait3A_26 = tpu.memref_slice %arg3[%dma_wait3A, %dma_wait3A_25] : memref<10000x128xf32, #tpu.memory_space<hbm>> -> memref<10000x128xf32, #tpu.memory_space<hbm>>
          tpu.wait_indirect_dma semaphore(%arg12 : memref<!tpu.dma_semaphore, #tpu.memory_space<semaphore_mem>>) src(%dma_wait3A_26 : memref<10000x128xf32, #tpu.memory_space<hbm>>) dst(%arg11 : memref<128x128xf32, #tpu.memory_space<vmem>>)
        } else {
        }
        "tpu.region"() ({
          %run_scoped3A = tpu.sem_alloc : memref<!tpu.dma_semaphore, #tpu.memory_space<semaphore_mem>>
          %dma_start3A = arith.constant 0 : i32
          %dma_start3A_23 = arith.constant 0 : i32
          %dma_start3A_24 = tpu.memref_slice %arg8[%dma_start3A, %dma_start3A_23] : memref<10112x128xf32, #tpu.memory_space<vmem_shared>> -> memref<10112x128xf32, #tpu.memory_space<vmem_shared>>
          tpu.enqueue_indirect_dma source(%arg11 : memref<128x128xf32, #tpu.memory_space<vmem>>) target(%dma_start3A_24 : memref<10112x128xf32, #tpu.memory_space<vmem_shared>>) offsets(%arg10 : memref<128xi32, #tpu.memory_space<vmem>>) semaphore(%run_scoped3A : memref<!tpu.dma_semaphore, #tpu.memory_space<semaphore_mem>>) {add = true}
          %dma_wait3A = arith.constant 0 : i32
          %dma_wait3A_25 = arith.constant 0 : i32
          %dma_wait3A_26 = tpu.memref_slice %arg8[%dma_wait3A, %dma_wait3A_25] : memref<10112x128xf32, #tpu.memory_space<vmem_shared>> -> memref<10112x128xf32, #tpu.memory_space<vmem_shared>>
          tpu.wait_indirect_dma semaphore(%run_scoped3A : memref<!tpu.dma_semaphore, #tpu.memory_space<semaphore_mem>>) src(%arg11 : memref<128x128xf32, #tpu.memory_space<vmem>>) dst(%dma_wait3A_26 : memref<10112x128xf32, #tpu.memory_space<vmem_shared>>)
          tpu.yield
        }) : () -> ()
      } else {
      }
    }
    %scan3A_5 = arith.constant 79 : i32
    %barrier3A_6 = arith.constant 0 : index
    tpu.barrier barrier_id(%barrier3A_6)
    "tpu.region"() ({
      %run_scoped3A = tpu.sem_alloc : memref<!tpu.dma_semaphore, #tpu.memory_space<semaphore_mem>>
      %dma_start3A = arith.constant 0 : i32
      %dma_start3A_7 = tpu.memref_slice %arg7[%arg0, %mul3A_0, %dma_start3A] : memref<2x10112x128xf32, #tpu.memory_space<hbm>> -> memref<1x632x128xf32, #tpu.memory_space<hbm>>
      %dma_start3A_8 = tpu.memref_squeeze %dma_start3A_7 : memref<1x632x128xf32, #tpu.memory_space<hbm>> -> memref<632x128xf32, #tpu.memory_space<hbm>>
      %dma_start3A_9 = arith.constant 0 : i32
      %dma_start3A_10 = tpu.memref_slice %arg8[%mul3A_0, %dma_start3A_9] : memref<10112x128xf32, #tpu.memory_space<vmem_shared>> -> memref<632x128xf32, #tpu.memory_space<vmem_shared>>
      tpu.enqueue_dma source(%dma_start3A_10 : memref<632x128xf32, #tpu.memory_space<vmem_shared>>) target(%dma_start3A_8 : memref<632x128xf32, #tpu.memory_space<hbm>>) target_semaphore(%run_scoped3A : memref<!tpu.dma_semaphore, #tpu.memory_space<semaphore_mem>>)
      %dma_wait3A = arith.constant 0 : i32
      %dma_wait3A_11 = tpu.memref_slice %arg7[%arg0, %mul3A_0, %dma_wait3A] : memref<2x10112x128xf32, #tpu.memory_space<hbm>> -> memref<1x632x128xf32, #tpu.memory_space<hbm>>
      %dma_wait3A_12 = tpu.memref_squeeze %dma_wait3A_11 : memref<1x632x128xf32, #tpu.memory_space<hbm>> -> memref<632x128xf32, #tpu.memory_space<hbm>>
      %dma_wait3A_13 = arith.constant 0 : i32
      %dma_wait3A_14 = tpu.memref_slice %arg8[%mul3A_0, %dma_wait3A_13] : memref<10112x128xf32, #tpu.memory_space<vmem_shared>> -> memref<632x128xf32, #tpu.memory_space<vmem_shared>>
      tpu.wait_dma2 semaphore(%run_scoped3A : memref<!tpu.dma_semaphore, #tpu.memory_space<semaphore_mem>>) src(%dma_wait3A_14 : memref<632x128xf32, #tpu.memory_space<vmem_shared>>) dst(%dma_wait3A_12 : memref<632x128xf32, #tpu.memory_space<hbm>>)
      tpu.yield
    }) : () -> ()
    return
  }
}

#map = affine_map<(d0, d1) -> (0, 0)>
#map1 = affine_map<(d0, d1) -> (0)>
#map2 = affine_map<(d0, d1) -> (0, 0, 0)>
module attributes {stable_mosaic.version = 14 : i64} {
  func.func @_segsum_body(%arg0: i32, %arg1: i32, %arg2: memref<10000x128xf32, #tpu.memory_space<hbm>>, %arg3: memref<10000x128xf32, #tpu.memory_space<hbm>>, %arg4: memref<160000xi32, #tpu.memory_space<hbm>>, %arg5: memref<160000xi32, #tpu.memory_space<hbm>>, %arg6: memref<10112x128xf32, #tpu.memory_space<hbm>>, %arg7: memref<2x10112x128xf32, #tpu.memory_space<hbm>>, %arg8: memref<10112x128xf32, #tpu.memory_space<vmem_shared>>, %arg9: memref<128xi32, #tpu.memory_space<vmem>>, %arg10: memref<128xi32, #tpu.memory_space<vmem>>, %arg11: memref<128x128xf32, #tpu.memory_space<vmem>>, %arg12: memref<!tpu.dma_semaphore, #tpu.memory_space<semaphore_mem>>) attributes {dimension_semantics = [#tpu.dimension_semantics<core_parallel>, #tpu.dimension_semantics<subcore_parallel>], iteration_bounds = array<i64: 2, 16>, scalar_prefetch = 0 : i64, scratch_operands = 5 : i64, tpu.core_type = #tpu.core_type<sc_vector_subcore>, window_params = [{transform_indices = #map}, {transform_indices = #map}, {transform_indices = #map1}, {transform_indices = #map1}, {transform_indices = #map}, {transform_indices = #map2}]} {
    %mul3A = arith.constant 632 : i32
    %mul3A_0 = arith.muli %arg1, %mul3A : i32
    "tpu.region"() ({
      %run_scoped3A = tpu.sem_alloc : memref<!tpu.dma_semaphore, #tpu.memory_space<semaphore_mem>>
      %dma_start3A = arith.constant 0 : i32
      %dma_start3A_7 = tpu.memref_slice %arg8[%mul3A_0, %dma_start3A] : memref<10112x128xf32, #tpu.memory_space<vmem_shared>> -> memref<632x128xf32, #tpu.memory_space<vmem_shared>>
      %dma_start3A_8 = arith.constant 0 : i32
      %dma_start3A_9 = tpu.memref_slice %arg6[%mul3A_0, %dma_start3A_8] : memref<10112x128xf32, #tpu.memory_space<hbm>> -> memref<632x128xf32, #tpu.memory_space<hbm>>
      tpu.enqueue_dma source(%dma_start3A_9 : memref<632x128xf32, #tpu.memory_space<hbm>>) target(%dma_start3A_7 : memref<632x128xf32, #tpu.memory_space<vmem_shared>>) target_semaphore(%run_scoped3A : memref<!tpu.dma_semaphore, #tpu.memory_space<semaphore_mem>>)
      %dma_wait3A = arith.constant 0 : i32
      %dma_wait3A_10 = tpu.memref_slice %arg8[%mul3A_0, %dma_wait3A] : memref<10112x128xf32, #tpu.memory_space<vmem_shared>> -> memref<632x128xf32, #tpu.memory_space<vmem_shared>>
      %dma_wait3A_11 = arith.constant 0 : i32
      %dma_wait3A_12 = tpu.memref_slice %arg6[%mul3A_0, %dma_wait3A_11] : memref<10112x128xf32, #tpu.memory_space<hbm>> -> memref<632x128xf32, #tpu.memory_space<hbm>>
      tpu.wait_dma2 semaphore(%run_scoped3A : memref<!tpu.dma_semaphore, #tpu.memory_space<semaphore_mem>>) src(%dma_wait3A_12 : memref<632x128xf32, #tpu.memory_space<hbm>>) dst(%dma_wait3A_10 : memref<632x128xf32, #tpu.memory_space<vmem_shared>>)
      tpu.yield
    }) : () -> ()
    %barrier3A = arith.constant 0 : index
    tpu.barrier barrier_id(%barrier3A)
    %scan3A = arith.constant 0 : i32
    %scan3A_1 = arith.constant 0 : i32
    %scan3A_2 = arith.constant 79 : i32
    %scan3A_3 = arith.addi %scan3A_1, %scan3A_2 : i32
    %scan3A_4 = arith.constant 1 : i32
    scf.for %scan3A_7 = %scan3A_1 to %scan3A_3 step %scan3A_4  : i32 {
      %mul3A_8 = arith.constant 16 : i32
      %mul3A_9 = arith.muli %scan3A_7, %mul3A_8 : i32
      %add3A = arith.addi %arg1, %mul3A_9 : i32
      %lt3A = arith.constant 1250 : i32
      %lt3A_10 = arith.cmpi slt, %add3A, %lt3A : i32
      %convert_element_type3A = arith.extui %lt3A_10 : i1 to i32
      %cond3A = arith.constant 0 : i32
      %cond3A_11 = arith.cmpi ne, %convert_element_type3A, %cond3A : i32
      scf.if %cond3A_11 {
        %mul3A_12 = arith.constant 128 : i32
        %mul3A_13 = arith.muli %add3A, %mul3A_12 : i32
        "tpu.region"() ({
          %run_scoped3A = tpu.sem_alloc : memref<!tpu.dma_semaphore, #tpu.memory_space<semaphore_mem>>
          %dma_start3A = tpu.memref_slice %arg4[%mul3A_13] : memref<160000xi32, #tpu.memory_space<hbm>> -> memref<128xi32, #tpu.memory_space<hbm>>
          %dma_start3A_23 = tpu.memref_slice %arg4[%mul3A_13] : memref<160000xi32, #tpu.memory_space<hbm>> -> memref<128xi32, #tpu.memory_space<hbm>>
          tpu.enqueue_dma source(%dma_start3A_23 : memref<128xi32, #tpu.memory_space<hbm>>) target(%arg9 : memref<128xi32, #tpu.memory_space<vmem>>) target_semaphore(%run_scoped3A : memref<!tpu.dma_semaphore, #tpu.memory_space<semaphore_mem>>)
          %dma_wait3A = tpu.memref_slice %arg4[%mul3A_13] : memref<160000xi32, #tpu.memory_space<hbm>> -> memref<128xi32, #tpu.memory_space<hbm>>
          %dma_wait3A_24 = tpu.memref_slice %arg4[%mul3A_13] : memref<160000xi32, #tpu.memory_space<hbm>> -> memref<128xi32, #tpu.memory_space<hbm>>
          tpu.wait_dma2 semaphore(%run_scoped3A : memref<!tpu.dma_semaphore, #tpu.memory_space<semaphore_mem>>) src(%dma_wait3A_24 : memref<128xi32, #tpu.memory_space<hbm>>) dst(%arg9 : memref<128xi32, #tpu.memory_space<vmem>>)
          tpu.yield
        }) : () -> ()
        "tpu.region"() ({
          %run_scoped3A = tpu.sem_alloc : memref<!tpu.dma_semaphore, #tpu.memory_space<semaphore_mem>>
          %dma_start3A = tpu.memref_slice %arg5[%mul3A_13] : memref<160000xi32, #tpu.memory_space<hbm>> -> memref<128xi32, #tpu.memory_space<hbm>>
          %dma_start3A_23 = tpu.memref_slice %arg5[%mul3A_13] : memref<160000xi32, #tpu.memory_space<hbm>> -> memref<128xi32, #tpu.memory_space<hbm>>
          tpu.enqueue_dma source(%dma_start3A_23 : memref<128xi32, #tpu.memory_space<hbm>>) target(%arg10 : memref<128xi32, #tpu.memory_space<vmem>>) target_semaphore(%run_scoped3A : memref<!tpu.dma_semaphore, #tpu.memory_space<semaphore_mem>>)
          %dma_wait3A = tpu.memref_slice %arg5[%mul3A_13] : memref<160000xi32, #tpu.memory_space<hbm>> -> memref<128xi32, #tpu.memory_space<hbm>>
          %dma_wait3A_24 = tpu.memref_slice %arg5[%mul3A_13] : memref<160000xi32, #tpu.memory_space<hbm>> -> memref<128xi32, #tpu.memory_space<hbm>>
          tpu.wait_dma2 semaphore(%run_scoped3A : memref<!tpu.dma_semaphore, #tpu.memory_space<semaphore_mem>>) src(%dma_wait3A_24 : memref<128xi32, #tpu.memory_space<hbm>>) dst(%arg10 : memref<128xi32, #tpu.memory_space<vmem>>)
          tpu.yield
        }) : () -> ()
        %eq3A = arith.constant 0 : i32
        %eq3A_14 = arith.cmpi eq, %arg0, %eq3A : i32
        %convert_element_type3A_15 = arith.extui %eq3A_14 : i1 to i32
        %cond3A_16 = arith.constant 0 : i32
        %cond3A_17 = arith.cmpi ne, %convert_element_type3A_15, %cond3A_16 : i32
        scf.if %cond3A_17 {
          %dma_start3A = arith.constant 0 : i32
          %dma_start3A_23 = arith.constant 0 : i32
          %dma_start3A_24 = tpu.memref_slice %arg2[%dma_start3A, %dma_start3A_23] : memref<10000x128xf32, #tpu.memory_space<hbm>> -> memref<10000x128xf32, #tpu.memory_space<hbm>>
          tpu.enqueue_indirect_dma source(%dma_start3A_24 : memref<10000x128xf32, #tpu.memory_space<hbm>>) target(%arg11 : memref<128x128xf32, #tpu.memory_space<vmem>>) offsets(%arg9 : memref<128xi32, #tpu.memory_space<vmem>>) semaphore(%arg12 : memref<!tpu.dma_semaphore, #tpu.memory_space<semaphore_mem>>)
          %dma_wait3A = arith.constant 0 : i32
          %dma_wait3A_25 = arith.constant 0 : i32
          %dma_wait3A_26 = tpu.memref_slice %arg2[%dma_wait3A, %dma_wait3A_25] : memref<10000x128xf32, #tpu.memory_space<hbm>> -> memref<10000x128xf32, #tpu.memory_space<hbm>>
          tpu.wait_indirect_dma semaphore(%arg12 : memref<!tpu.dma_semaphore, #tpu.memory_space<semaphore_mem>>) src(%dma_wait3A_26 : memref<10000x128xf32, #tpu.memory_space<hbm>>) dst(%arg11 : memref<128x128xf32, #tpu.memory_space<vmem>>)
        } else {
        }
        %eq3A_18 = arith.constant 1 : i32
        %eq3A_19 = arith.cmpi eq, %arg0, %eq3A_18 : i32
        %convert_element_type3A_20 = arith.extui %eq3A_19 : i1 to i32
        %cond3A_21 = arith.constant 0 : i32
        %cond3A_22 = arith.cmpi ne, %convert_element_type3A_20, %cond3A_21 : i32
        scf.if %cond3A_22 {
          %dma_start3A = arith.constant 0 : i32
          %dma_start3A_23 = arith.constant 0 : i32
          %dma_start3A_24 = tpu.memref_slice %arg3[%dma_start3A, %dma_start3A_23] : memref<10000x128xf32, #tpu.memory_space<hbm>> -> memref<10000x128xf32, #tpu.memory_space<hbm>>
          tpu.enqueue_indirect_dma source(%dma_start3A_24 : memref<10000x128xf32, #tpu.memory_space<hbm>>) target(%arg11 : memref<128x128xf32, #tpu.memory_space<vmem>>) offsets(%arg9 : memref<128xi32, #tpu.memory_space<vmem>>) semaphore(%arg12 : memref<!tpu.dma_semaphore, #tpu.memory_space<semaphore_mem>>)
          %dma_wait3A = arith.constant 0 : i32
          %dma_wait3A_25 = arith.constant 0 : i32
          %dma_wait3A_26 = tpu.memref_slice %arg3[%dma_wait3A, %dma_wait3A_25] : memref<10000x128xf32, #tpu.memory_space<hbm>> -> memref<10000x128xf32, #tpu.memory_space<hbm>>
          tpu.wait_indirect_dma semaphore(%arg12 : memref<!tpu.dma_semaphore, #tpu.memory_space<semaphore_mem>>) src(%dma_wait3A_26 : memref<10000x128xf32, #tpu.memory_space<hbm>>) dst(%arg11 : memref<128x128xf32, #tpu.memory_space<vmem>>)
        } else {
        }
        "tpu.region"() ({
          %run_scoped3A = tpu.sem_alloc : memref<!tpu.dma_semaphore, #tpu.memory_space<semaphore_mem>>
          %dma_start3A = arith.constant 0 : i32
          %dma_start3A_23 = arith.constant 0 : i32
          %dma_start3A_24 = tpu.memref_slice %arg8[%dma_start3A, %dma_start3A_23] : memref<10112x128xf32, #tpu.memory_space<vmem_shared>> -> memref<10112x128xf32, #tpu.memory_space<vmem_shared>>
          tpu.enqueue_indirect_dma source(%arg11 : memref<128x128xf32, #tpu.memory_space<vmem>>) target(%dma_start3A_24 : memref<10112x128xf32, #tpu.memory_space<vmem_shared>>) offsets(%arg10 : memref<128xi32, #tpu.memory_space<vmem>>) semaphore(%run_scoped3A : memref<!tpu.dma_semaphore, #tpu.memory_space<semaphore_mem>>) {add = true}
          %dma_wait3A = arith.constant 0 : i32
          %dma_wait3A_25 = arith.constant 0 : i32
          %dma_wait3A_26 = tpu.memref_slice %arg8[%dma_wait3A, %dma_wait3A_25] : memref<10112x128xf32, #tpu.memory_space<vmem_shared>> -> memref<10112x128xf32, #tpu.memory_space<vmem_shared>>
          tpu.wait_indirect_dma semaphore(%run_scoped3A : memref<!tpu.dma_semaphore, #tpu.memory_space<semaphore_mem>>) src(%arg11 : memref<128x128xf32, #tpu.memory_space<vmem>>) dst(%dma_wait3A_26 : memref<10112x128xf32, #tpu.memory_space<vmem_shared>>)
          tpu.yield
        }) : () -> ()
      } else {
      }
    }
    %scan3A_5 = arith.constant 79 : i32
    %barrier3A_6 = arith.constant 0 : index
    tpu.barrier barrier_id(%barrier3A_6)
    "tpu.region"() ({
      %run_scoped3A = tpu.sem_alloc : memref<!tpu.dma_semaphore, #tpu.memory_space<semaphore_mem>>
      %dma_start3A = arith.constant 0 : i32
      %dma_start3A_7 = tpu.memref_slice %arg7[%arg0, %mul3A_0, %dma_start3A] : memref<2x10112x128xf32, #tpu.memory_space<hbm>> -> memref<1x632x128xf32, #tpu.memory_space<hbm>>
      %dma_start3A_8 = tpu.memref_squeeze %dma_start3A_7 : memref<1x632x128xf32, #tpu.memory_space<hbm>> -> memref<632x128xf32, #tpu.memory_space<hbm>>
      %dma_start3A_9 = arith.constant 0 : i32
      %dma_start3A_10 = tpu.memref_slice %arg8[%mul3A_0, %dma_start3A_9] : memref<10112x128xf32, #tpu.memory_space<vmem_shared>> -> memref<632x128xf32, #tpu.memory_space<vmem_shared>>
      tpu.enqueue_dma source(%dma_start3A_10 : memref<632x128xf32, #tpu.memory_space<vmem_shared>>) target(%dma_start3A_8 : memref<632x128xf32, #tpu.memory_space<hbm>>) target_semaphore(%run_scoped3A : memref<!tpu.dma_semaphore, #tpu.memory_space<semaphore_mem>>)
      %dma_wait3A = arith.constant 0 : i32
      %dma_wait3A_11 = tpu.memref_slice %arg7[%arg0, %mul3A_0, %dma_wait3A] : memref<2x10112x128xf32, #tpu.memory_space<hbm>> -> memref<1x632x128xf32, #tpu.memory_space<hbm>>
      %dma_wait3A_12 = tpu.memref_squeeze %dma_wait3A_11 : memref<1x632x128xf32, #tpu.memory_space<hbm>> -> memref<632x128xf32, #tpu.memory_space<hbm>>
      %dma_wait3A_13 = arith.constant 0 : i32
      %dma_wait3A_14 = tpu.memref_slice %arg8[%mul3A_0, %dma_wait3A_13] : memref<10112x128xf32, #tpu.memory_space<vmem_shared>> -> memref<632x128xf32, #tpu.memory_space<vmem_shared>>
      tpu.wait_dma2 semaphore(%run_scoped3A : memref<!tpu.dma_semaphore, #tpu.memory_space<semaphore_mem>>) src(%dma_wait3A_14 : memref<632x128xf32, #tpu.memory_space<vmem_shared>>) dst(%dma_wait3A_12 : memref<632x128xf32, #tpu.memory_space<hbm>>)
      tpu.yield
    }) : () -> ()
    return
  }
}

#map = affine_map<(d0, d1) -> (0, 0)>
#map1 = affine_map<(d0, d1) -> (0)>
#map2 = affine_map<(d0, d1) -> (0, 0, 0)>
module attributes {stable_mosaic.version = 14 : i64} {
  func.func @_segsum_body(%arg0: i32, %arg1: i32, %arg2: memref<10000x128xf32, #tpu.memory_space<hbm>>, %arg3: memref<10000x128xf32, #tpu.memory_space<hbm>>, %arg4: memref<160000xi32, #tpu.memory_space<hbm>>, %arg5: memref<160000xi32, #tpu.memory_space<hbm>>, %arg6: memref<10112x128xf32, #tpu.memory_space<hbm>>, %arg7: memref<2x10112x128xf32, #tpu.memory_space<hbm>>, %arg8: memref<10112x128xf32, #tpu.memory_space<vmem_shared>>, %arg9: memref<128xi32, #tpu.memory_space<vmem>>, %arg10: memref<128xi32, #tpu.memory_space<vmem>>, %arg11: memref<128x128xf32, #tpu.memory_space<vmem>>, %arg12: memref<!tpu.dma_semaphore, #tpu.memory_space<semaphore_mem>>) attributes {dimension_semantics = [#tpu.dimension_semantics<core_parallel>, #tpu.dimension_semantics<subcore_parallel>], iteration_bounds = array<i64: 2, 16>, scalar_prefetch = 0 : i64, scratch_operands = 5 : i64, tpu.core_type = #tpu.core_type<sc_vector_subcore>, window_params = [{transform_indices = #map}, {transform_indices = #map}, {transform_indices = #map1}, {transform_indices = #map1}, {transform_indices = #map}, {transform_indices = #map2}]} {
    %mul3A = arith.constant 632 : i32
    %mul3A_0 = arith.muli %arg1, %mul3A : i32
    "tpu.region"() ({
      %run_scoped3A = tpu.sem_alloc : memref<!tpu.dma_semaphore, #tpu.memory_space<semaphore_mem>>
      %dma_start3A = arith.constant 0 : i32
      %dma_start3A_7 = tpu.memref_slice %arg8[%mul3A_0, %dma_start3A] : memref<10112x128xf32, #tpu.memory_space<vmem_shared>> -> memref<632x128xf32, #tpu.memory_space<vmem_shared>>
      %dma_start3A_8 = arith.constant 0 : i32
      %dma_start3A_9 = tpu.memref_slice %arg6[%mul3A_0, %dma_start3A_8] : memref<10112x128xf32, #tpu.memory_space<hbm>> -> memref<632x128xf32, #tpu.memory_space<hbm>>
      tpu.enqueue_dma source(%dma_start3A_9 : memref<632x128xf32, #tpu.memory_space<hbm>>) target(%dma_start3A_7 : memref<632x128xf32, #tpu.memory_space<vmem_shared>>) target_semaphore(%run_scoped3A : memref<!tpu.dma_semaphore, #tpu.memory_space<semaphore_mem>>)
      %dma_wait3A = arith.constant 0 : i32
      %dma_wait3A_10 = tpu.memref_slice %arg8[%mul3A_0, %dma_wait3A] : memref<10112x128xf32, #tpu.memory_space<vmem_shared>> -> memref<632x128xf32, #tpu.memory_space<vmem_shared>>
      %dma_wait3A_11 = arith.constant 0 : i32
      %dma_wait3A_12 = tpu.memref_slice %arg6[%mul3A_0, %dma_wait3A_11] : memref<10112x128xf32, #tpu.memory_space<hbm>> -> memref<632x128xf32, #tpu.memory_space<hbm>>
      tpu.wait_dma2 semaphore(%run_scoped3A : memref<!tpu.dma_semaphore, #tpu.memory_space<semaphore_mem>>) src(%dma_wait3A_12 : memref<632x128xf32, #tpu.memory_space<hbm>>) dst(%dma_wait3A_10 : memref<632x128xf32, #tpu.memory_space<vmem_shared>>)
      tpu.yield
    }) : () -> ()
    %barrier3A = arith.constant 0 : index
    tpu.barrier barrier_id(%barrier3A)
    %scan3A = arith.constant 0 : i32
    %scan3A_1 = arith.constant 0 : i32
    %scan3A_2 = arith.constant 79 : i32
    %scan3A_3 = arith.addi %scan3A_1, %scan3A_2 : i32
    %scan3A_4 = arith.constant 1 : i32
    scf.for %scan3A_7 = %scan3A_1 to %scan3A_3 step %scan3A_4  : i32 {
      %mul3A_8 = arith.constant 16 : i32
      %mul3A_9 = arith.muli %scan3A_7, %mul3A_8 : i32
      %add3A = arith.addi %arg1, %mul3A_9 : i32
      %lt3A = arith.constant 1250 : i32
      %lt3A_10 = arith.cmpi slt, %add3A, %lt3A : i32
      %convert_element_type3A = arith.extui %lt3A_10 : i1 to i32
      %cond3A = arith.constant 0 : i32
      %cond3A_11 = arith.cmpi ne, %convert_element_type3A, %cond3A : i32
      scf.if %cond3A_11 {
        %mul3A_12 = arith.constant 128 : i32
        %mul3A_13 = arith.muli %add3A, %mul3A_12 : i32
        "tpu.region"() ({
          %run_scoped3A = tpu.sem_alloc : memref<!tpu.dma_semaphore, #tpu.memory_space<semaphore_mem>>
          %dma_start3A = tpu.memref_slice %arg4[%mul3A_13] : memref<160000xi32, #tpu.memory_space<hbm>> -> memref<128xi32, #tpu.memory_space<hbm>>
          %dma_start3A_23 = tpu.memref_slice %arg4[%mul3A_13] : memref<160000xi32, #tpu.memory_space<hbm>> -> memref<128xi32, #tpu.memory_space<hbm>>
          tpu.enqueue_dma source(%dma_start3A_23 : memref<128xi32, #tpu.memory_space<hbm>>) target(%arg9 : memref<128xi32, #tpu.memory_space<vmem>>) target_semaphore(%run_scoped3A : memref<!tpu.dma_semaphore, #tpu.memory_space<semaphore_mem>>)
          %dma_wait3A = tpu.memref_slice %arg4[%mul3A_13] : memref<160000xi32, #tpu.memory_space<hbm>> -> memref<128xi32, #tpu.memory_space<hbm>>
          %dma_wait3A_24 = tpu.memref_slice %arg4[%mul3A_13] : memref<160000xi32, #tpu.memory_space<hbm>> -> memref<128xi32, #tpu.memory_space<hbm>>
          tpu.wait_dma2 semaphore(%run_scoped3A : memref<!tpu.dma_semaphore, #tpu.memory_space<semaphore_mem>>) src(%dma_wait3A_24 : memref<128xi32, #tpu.memory_space<hbm>>) dst(%arg9 : memref<128xi32, #tpu.memory_space<vmem>>)
          tpu.yield
        }) : () -> ()
        "tpu.region"() ({
          %run_scoped3A = tpu.sem_alloc : memref<!tpu.dma_semaphore, #tpu.memory_space<semaphore_mem>>
          %dma_start3A = tpu.memref_slice %arg5[%mul3A_13] : memref<160000xi32, #tpu.memory_space<hbm>> -> memref<128xi32, #tpu.memory_space<hbm>>
          %dma_start3A_23 = tpu.memref_slice %arg5[%mul3A_13] : memref<160000xi32, #tpu.memory_space<hbm>> -> memref<128xi32, #tpu.memory_space<hbm>>
          tpu.enqueue_dma source(%dma_start3A_23 : memref<128xi32, #tpu.memory_space<hbm>>) target(%arg10 : memref<128xi32, #tpu.memory_space<vmem>>) target_semaphore(%run_scoped3A : memref<!tpu.dma_semaphore, #tpu.memory_space<semaphore_mem>>)
          %dma_wait3A = tpu.memref_slice %arg5[%mul3A_13] : memref<160000xi32, #tpu.memory_space<hbm>> -> memref<128xi32, #tpu.memory_space<hbm>>
          %dma_wait3A_24 = tpu.memref_slice %arg5[%mul3A_13] : memref<160000xi32, #tpu.memory_space<hbm>> -> memref<128xi32, #tpu.memory_space<hbm>>
          tpu.wait_dma2 semaphore(%run_scoped3A : memref<!tpu.dma_semaphore, #tpu.memory_space<semaphore_mem>>) src(%dma_wait3A_24 : memref<128xi32, #tpu.memory_space<hbm>>) dst(%arg10 : memref<128xi32, #tpu.memory_space<vmem>>)
          tpu.yield
        }) : () -> ()
        %eq3A = arith.constant 0 : i32
        %eq3A_14 = arith.cmpi eq, %arg0, %eq3A : i32
        %convert_element_type3A_15 = arith.extui %eq3A_14 : i1 to i32
        %cond3A_16 = arith.constant 0 : i32
        %cond3A_17 = arith.cmpi ne, %convert_element_type3A_15, %cond3A_16 : i32
        scf.if %cond3A_17 {
          %dma_start3A = arith.constant 0 : i32
          %dma_start3A_23 = arith.constant 0 : i32
          %dma_start3A_24 = tpu.memref_slice %arg2[%dma_start3A, %dma_start3A_23] : memref<10000x128xf32, #tpu.memory_space<hbm>> -> memref<10000x128xf32, #tpu.memory_space<hbm>>
          tpu.enqueue_indirect_dma source(%dma_start3A_24 : memref<10000x128xf32, #tpu.memory_space<hbm>>) target(%arg11 : memref<128x128xf32, #tpu.memory_space<vmem>>) offsets(%arg9 : memref<128xi32, #tpu.memory_space<vmem>>) semaphore(%arg12 : memref<!tpu.dma_semaphore, #tpu.memory_space<semaphore_mem>>)
          %dma_wait3A = arith.constant 0 : i32
          %dma_wait3A_25 = arith.constant 0 : i32
          %dma_wait3A_26 = tpu.memref_slice %arg2[%dma_wait3A, %dma_wait3A_25] : memref<10000x128xf32, #tpu.memory_space<hbm>> -> memref<10000x128xf32, #tpu.memory_space<hbm>>
          tpu.wait_indirect_dma semaphore(%arg12 : memref<!tpu.dma_semaphore, #tpu.memory_space<semaphore_mem>>) src(%dma_wait3A_26 : memref<10000x128xf32, #tpu.memory_space<hbm>>) dst(%arg11 : memref<128x128xf32, #tpu.memory_space<vmem>>)
        } else {
        }
        %eq3A_18 = arith.constant 1 : i32
        %eq3A_19 = arith.cmpi eq, %arg0, %eq3A_18 : i32
        %convert_element_type3A_20 = arith.extui %eq3A_19 : i1 to i32
        %cond3A_21 = arith.constant 0 : i32
        %cond3A_22 = arith.cmpi ne, %convert_element_type3A_20, %cond3A_21 : i32
        scf.if %cond3A_22 {
          %dma_start3A = arith.constant 0 : i32
          %dma_start3A_23 = arith.constant 0 : i32
          %dma_start3A_24 = tpu.memref_slice %arg3[%dma_start3A, %dma_start3A_23] : memref<10000x128xf32, #tpu.memory_space<hbm>> -> memref<10000x128xf32, #tpu.memory_space<hbm>>
          tpu.enqueue_indirect_dma source(%dma_start3A_24 : memref<10000x128xf32, #tpu.memory_space<hbm>>) target(%arg11 : memref<128x128xf32, #tpu.memory_space<vmem>>) offsets(%arg9 : memref<128xi32, #tpu.memory_space<vmem>>) semaphore(%arg12 : memref<!tpu.dma_semaphore, #tpu.memory_space<semaphore_mem>>)
          %dma_wait3A = arith.constant 0 : i32
          %dma_wait3A_25 = arith.constant 0 : i32
          %dma_wait3A_26 = tpu.memref_slice %arg3[%dma_wait3A, %dma_wait3A_25] : memref<10000x128xf32, #tpu.memory_space<hbm>> -> memref<10000x128xf32, #tpu.memory_space<hbm>>
          tpu.wait_indirect_dma semaphore(%arg12 : memref<!tpu.dma_semaphore, #tpu.memory_space<semaphore_mem>>) src(%dma_wait3A_26 : memref<10000x128xf32, #tpu.memory_space<hbm>>) dst(%arg11 : memref<128x128xf32, #tpu.memory_space<vmem>>)
        } else {
        }
        "tpu.region"() ({
          %run_scoped3A = tpu.sem_alloc : memref<!tpu.dma_semaphore, #tpu.memory_space<semaphore_mem>>
          %dma_start3A = arith.constant 0 : i32
          %dma_start3A_23 = arith.constant 0 : i32
          %dma_start3A_24 = tpu.memref_slice %arg8[%dma_start3A, %dma_start3A_23] : memref<10112x128xf32, #tpu.memory_space<vmem_shared>> -> memref<10112x128xf32, #tpu.memory_space<vmem_shared>>
          tpu.enqueue_indirect_dma source(%arg11 : memref<128x128xf32, #tpu.memory_space<vmem>>) target(%dma_start3A_24 : memref<10112x128xf32, #tpu.memory_space<vmem_shared>>) offsets(%arg10 : memref<128xi32, #tpu.memory_space<vmem>>) semaphore(%run_scoped3A : memref<!tpu.dma_semaphore, #tpu.memory_space<semaphore_mem>>) {add = true}
          %dma_wait3A = arith.constant 0 : i32
          %dma_wait3A_25 = arith.constant 0 : i32
          %dma_wait3A_26 = tpu.memref_slice %arg8[%dma_wait3A, %dma_wait3A_25] : memref<10112x128xf32, #tpu.memory_space<vmem_shared>> -> memref<10112x128xf32, #tpu.memory_space<vmem_shared>>
          tpu.wait_indirect_dma semaphore(%run_scoped3A : memref<!tpu.dma_semaphore, #tpu.memory_space<semaphore_mem>>) src(%arg11 : memref<128x128xf32, #tpu.memory_space<vmem>>) dst(%dma_wait3A_26 : memref<10112x128xf32, #tpu.memory_space<vmem_shared>>)
          tpu.yield
        }) : () -> ()
      } else {
      }
    }
    %scan3A_5 = arith.constant 79 : i32
    %barrier3A_6 = arith.constant 0 : index
    tpu.barrier barrier_id(%barrier3A_6)
    "tpu.region"() ({
      %run_scoped3A = tpu.sem_alloc : memref<!tpu.dma_semaphore, #tpu.memory_space<semaphore_mem>>
      %dma_start3A = arith.constant 0 : i32
      %dma_start3A_7 = tpu.memref_slice %arg7[%arg0, %mul3A_0, %dma_start3A] : memref<2x10112x128xf32, #tpu.memory_space<hbm>> -> memref<1x632x128xf32, #tpu.memory_space<hbm>>
      %dma_start3A_8 = tpu.memref_squeeze %dma_start3A_7 : memref<1x632x128xf32, #tpu.memory_space<hbm>> -> memref<632x128xf32, #tpu.memory_space<hbm>>
      %dma_start3A_9 = arith.constant 0 : i32
      %dma_start3A_10 = tpu.memref_slice %arg8[%mul3A_0, %dma_start3A_9] : memref<10112x128xf32, #tpu.memory_space<vmem_shared>> -> memref<632x128xf32, #tpu.memory_space<vmem_shared>>
      tpu.enqueue_dma source(%dma_start3A_10 : memref<632x128xf32, #tpu.memory_space<vmem_shared>>) target(%dma_start3A_8 : memref<632x128xf32, #tpu.memory_space<hbm>>) target_semaphore(%run_scoped3A : memref<!tpu.dma_semaphore, #tpu.memory_space<semaphore_mem>>)
      %dma_wait3A = arith.constant 0 : i32
      %dma_wait3A_11 = tpu.memref_slice %arg7[%arg0, %mul3A_0, %dma_wait3A] : memref<2x10112x128xf32, #tpu.memory_space<hbm>> -> memref<1x632x128xf32, #tpu.memory_space<hbm>>
      %dma_wait3A_12 = tpu.memref_squeeze %dma_wait3A_11 : memref<1x632x128xf32, #tpu.memory_space<hbm>> -> memref<632x128xf32, #tpu.memory_space<hbm>>
      %dma_wait3A_13 = arith.constant 0 : i32
      %dma_wait3A_14 = tpu.memref_slice %arg8[%mul3A_0, %dma_wait3A_13] : memref<10112x128xf32, #tpu.memory_space<vmem_shared>> -> memref<632x128xf32, #tpu.memory_space<vmem_shared>>
      tpu.wait_dma2 semaphore(%run_scoped3A : memref<!tpu.dma_semaphore, #tpu.memory_space<semaphore_mem>>) src(%dma_wait3A_14 : memref<632x128xf32, #tpu.memory_space<vmem_shared>>) dst(%dma_wait3A_12 : memref<632x128xf32, #tpu.memory_space<hbm>>)
      tpu.yield
    }) : () -> ()
    return
  }
}

module attributes {stable_mosaic.version = 14 : i64} {
  func.func @_emb_body(%arg0: i32, %arg1: memref<1000x1024xf32, #tpu.memory_space<vmem>>, %arg2: memref<256x1024xf32, #tpu.memory_space<vmem>>, %arg3: memref<1x256xf32, #tpu.memory_space<vmem>>, %arg4: memref<1000x128xf32, #tpu.memory_space<vmem>>, %arg5: memref<1000x128xf32, #tpu.memory_space<vmem>>) attributes {dimension_semantics = [#tpu.dimension_semantics<arbitrary>], iteration_bounds = array<i64: 10>, scalar_prefetch = 0 : i64, scratch_operands = 0 : i64, tpu.core_type = #tpu.core_type<tc>, window_params = [{transform_indices = @transform_0, window_bounds = array<i64: 1000, 1024>}, {pipeline_mode = #tpu.pipeline_mode<synchronous>, transform_indices = @transform_1, window_bounds = array<i64: 256, 1024>}, {pipeline_mode = #tpu.pipeline_mode<synchronous>, transform_indices = @transform_2, window_bounds = array<i64: 1, 256>}, {transform_indices = @transform_3, window_bounds = array<i64: 1000, 128>}, {transform_indices = @transform_4, window_bounds = array<i64: 1000, 128>}]} {
    %get3A = arith.constant 0 : index
    %get3A_0 = arith.constant 0 : index
    %get3A_1 = vector.load %arg1[%get3A, %get3A_0] : memref<1000x1024xf32, #tpu.memory_space<vmem>>, vector<1000x1024xf32>
    %get3A_2 = arith.constant 0 : index
    %get3A_3 = arith.constant 0 : index
    %get3A_4 = vector.load %arg2[%get3A_2, %get3A_3] : memref<256x1024xf32, #tpu.memory_space<vmem>>, vector<256x1024xf32>
    %dot_general3A = arith.constant dense<0.000000e+00> : vector<1000x256xf32>
    %dot_general3A_5 = tpu.matmul %get3A_1, %get3A_4, %dot_general3A {dimension_numbers = #tpu.dot_dimension_numbers<[1], [1], [0], [0], [0, 0, 1, 0], [], []>, transpose_lhs_hint = false} : vector<1000x1024xf32>, vector<256x1024xf32>, vector<1000x256xf32> -> vector<1000x256xf32>
    %get3A_6 = arith.constant 0 : index
    %get3A_7 = arith.constant 0 : index
    %get3A_8 = vector.load %arg3[%get3A_6, %get3A_7] : memref<1x256xf32, #tpu.memory_space<vmem>>, vector<1x256xf32>
    %add3A = vector.broadcast %get3A_8 : vector<1x256xf32> to vector<1000x256xf32>
    %add3A_9 = arith.addf %dot_general3A_5, %add3A : vector<1000x256xf32>
    %slice3A = vector.extract_strided_slice %add3A_9 {offsets = [0, 0], sizes = [1000, 128], strides = [1, 1]} : vector<1000x256xf32> to vector<1000x128xf32>
    %swap3A = arith.constant 0 : index
    %swap3A_10 = arith.constant 0 : index
    %swap3A_11 = vector.load %arg4[%swap3A, %swap3A_10] : memref<1000x128xf32, #tpu.memory_space<vmem>>, vector<1000x128xf32>
    tpu.vector_store %arg4[%swap3A, %swap3A_10], %slice3A {strides = array<i32>} : memref<1000x128xf32, #tpu.memory_space<vmem>>, vector<1000x128xf32>,
    %slice3A_12 = vector.extract_strided_slice %add3A_9 {offsets = [0, 128], sizes = [1000, 128], strides = [1, 1]} : vector<1000x256xf32> to vector<1000x128xf32>
    %swap3A_13 = arith.constant 0 : index
    %swap3A_14 = arith.constant 0 : index
    %swap3A_15 = vector.load %arg5[%swap3A_13, %swap3A_14] : memref<1000x128xf32, #tpu.memory_space<vmem>>, vector<1000x128xf32>
    tpu.vector_store %arg5[%swap3A_13, %swap3A_14], %slice3A_12 {strides = array<i32>} : memref<1000x128xf32, #tpu.memory_space<vmem>>, vector<1000x128xf32>,
    return
  }
  func.func @transform_0(%arg0: i32) -> (i32, i32) {
    %c0_i32 = arith.constant 0 : i32
    %c0_i32_0 = arith.constant 0 : i32
    return %arg0, %c0_i32 : i32, i32
  }
  func.func @transform_1(%arg0: i32) -> (i32, i32) {
    %c0_i32 = arith.constant 0 : i32
    %c0_i32_0 = arith.constant 0 : i32
    %c0_i32_1 = arith.constant 0 : i32
    return %c0_i32, %c0_i32_0 : i32, i32
  }
  func.func @transform_2(%arg0: i32) -> (i32, i32) {
    %c0_i32 = arith.constant 0 : i32
    %c0_i32_0 = arith.constant 0 : i32
    %c0_i32_1 = arith.constant 0 : i32
    return %c0_i32, %c0_i32_0 : i32, i32
  }
  func.func @transform_3(%arg0: i32) -> (i32, i32) {
    %c0_i32 = arith.constant 0 : i32
    %c0_i32_0 = arith.constant 0 : i32
    return %arg0, %c0_i32 : i32, i32
  }
  func.func @transform_4(%arg0: i32) -> (i32, i32) {
    %c0_i32 = arith.constant 0 : i32
    %c0_i32_0 = arith.constant 0 : i32
    return %arg0, %c0_i32 : i32, i32
  }
}

module attributes {stable_mosaic.version = 14 : i64} {
  func.func @_node_apply_body(%arg0: i32, %arg1: memref<1000x128xf32, #tpu.memory_space<vmem>>, %arg2: memref<1000x128xf32, #tpu.memory_space<vmem>>, %arg3: memref<1x1000x128xf32, #tpu.memory_space<vmem>>, %arg4: memref<1x1000x128xf32, #tpu.memory_space<vmem>>, %arg5: memref<1x1000x128xf32, #tpu.memory_space<vmem>>, %arg6: memref<1x1000x128xf32, #tpu.memory_space<vmem>>, %arg7: memref<256x512xf32, #tpu.memory_space<vmem>>, %arg8: memref<1x256xf32, #tpu.memory_space<vmem>>, %arg9: memref<1000x128xf32, #tpu.memory_space<vmem>>, %arg10: memref<1000x128xf32, #tpu.memory_space<vmem>>) attributes {dimension_semantics = [#tpu.dimension_semantics<arbitrary>], iteration_bounds = array<i64: 10>, scalar_prefetch = 0 : i64, scratch_operands = 0 : i64, tpu.core_type = #tpu.core_type<tc>, window_params = [{transform_indices = @transform_0, window_bounds = array<i64: 1000, 128>}, {transform_indices = @transform_1, window_bounds = array<i64: 1000, 128>}, {transform_indices = @transform_2, window_bounds = array<i64: 1, 1000, 128>}, {transform_indices = @transform_3, window_bounds = array<i64: 1, 1000, 128>}, {transform_indices = @transform_4, window_bounds = array<i64: 1, 1000, 128>}, {transform_indices = @transform_5, window_bounds = array<i64: 1, 1000, 128>}, {pipeline_mode = #tpu.pipeline_mode<synchronous>, transform_indices = @transform_6, window_bounds = array<i64: 256, 512>}, {pipeline_mode = #tpu.pipeline_mode<synchronous>, transform_indices = @transform_7, window_bounds = array<i64: 1, 256>}, {transform_indices = @transform_8, window_bounds = array<i64: 1000, 128>}, {transform_indices = @transform_9, window_bounds = array<i64: 1000, 128>}]} {
    %get3A = arith.constant 0 : index
    %get3A_0 = arith.constant 0 : index
    %get3A_1 = vector.load %arg1[%get3A, %get3A_0] : memref<1000x128xf32, #tpu.memory_space<vmem>>, vector<1000x128xf32>
    %get3A_2 = arith.constant 0 : index
    %get3A_3 = arith.constant 0 : index
    %get3A_4 = vector.load %arg2[%get3A_2, %get3A_3] : memref<1000x128xf32, #tpu.memory_space<vmem>>, vector<1000x128xf32>
    %get3A_5 = arith.constant 0 : index
    %get3A_6 = arith.constant 0 : index
    %get3A_7 = arith.constant 0 : index
    %get3A_8 = vector.load %arg5[%get3A_5, %get3A_6, %get3A_7] : memref<1x1000x128xf32, #tpu.memory_space<vmem>>, vector<1x1000x1xf32>
    %get3A_9 = vector.shape_cast %get3A_8 : vector<1x1000x1xf32> to vector<1000x1xf32>
    %get3A_10 = arith.constant 0 : index
    %get3A_11 = arith.constant 0 : index
    %get3A_12 = arith.constant 0 : index
    %get3A_13 = vector.load %arg6[%get3A_10, %get3A_11, %get3A_12] : memref<1x1000x128xf32, #tpu.memory_space<vmem>>, vector<1x1000x1xf32>
    %get3A_14 = vector.shape_cast %get3A_13 : vector<1x1000x1xf32> to vector<1000x1xf32>
    %add3A = arith.addf %get3A_9, %get3A_14 : vector<1000x1xf32>
    %max3A = arith.constant 1.000000e+00 : f32
    %max3A_15 = vector.broadcast %max3A : f32 to vector<1000x1xf32>
    %max3A_16 = arith.maximumf %add3A, %max3A_15 : vector<1000x1xf32>
    %div3A = arith.constant 1.000000e+00 : f32
    %div3A_17 = vector.broadcast %div3A : f32 to vector<1000x1xf32>
    %div3A_18 = arith.divf %div3A_17, %max3A_16 : vector<1000x1xf32>
    %get3A_19 = arith.constant 0 : index
    %get3A_20 = arith.constant 0 : index
    %get3A_21 = vector.load %arg7[%get3A_19, %get3A_20] : memref<256x512xf32, #tpu.memory_space<vmem>>, vector<256x512xf32>
    %slice3A = vector.extract_strided_slice %get3A_21 {offsets = [0, 0], sizes = [256, 128], strides = [1, 1]} : vector<256x512xf32> to vector<256x128xf32>
    %dot_general3A = arith.constant dense<0.000000e+00> : vector<1000x256xf32>
    %dot_general3A_22 = tpu.matmul %get3A_1, %slice3A, %dot_general3A {dimension_numbers = #tpu.dot_dimension_numbers<[1], [1], [0], [0], [0, 0, 1, 0], [], []>, transpose_lhs_hint = false} : vector<1000x128xf32>, vector<256x128xf32>, vector<1000x256xf32> -> vector<1000x256xf32>
    %slice3A_23 = vector.extract_strided_slice %get3A_21 {offsets = [0, 128], sizes = [256, 128], strides = [1, 1]} : vector<256x512xf32> to vector<256x128xf32>
    %dot_general3A_24 = arith.constant dense<0.000000e+00> : vector<1000x256xf32>
    %dot_general3A_25 = tpu.matmul %get3A_4, %slice3A_23, %dot_general3A_24 {dimension_numbers = #tpu.dot_dimension_numbers<[1], [1], [0], [0], [0, 0, 1, 0], [], []>, transpose_lhs_hint = false} : vector<1000x128xf32>, vector<256x128xf32>, vector<1000x256xf32> -> vector<1000x256xf32>
    %add3A_26 = arith.addf %dot_general3A_22, %dot_general3A_25 : vector<1000x256xf32>
    %get3A_27 = arith.constant 0 : index
    %get3A_28 = arith.constant 0 : index
    %get3A_29 = arith.constant 0 : index
    %get3A_30 = vector.load %arg3[%get3A_27, %get3A_28, %get3A_29] : memref<1x1000x128xf32, #tpu.memory_space<vmem>>, vector<1x1000x128xf32>
    %get3A_31 = vector.shape_cast %get3A_30 : vector<1x1000x128xf32> to vector<1000x128xf32>
    %mul3A = vector.broadcast %div3A_18 : vector<1000x1xf32> to vector<1000x128xf32>
    %mul3A_32 = arith.mulf %get3A_31, %mul3A : vector<1000x128xf32>
    %slice3A_33 = vector.extract_strided_slice %get3A_21 {offsets = [0, 256], sizes = [256, 128], strides = [1, 1]} : vector<256x512xf32> to vector<256x128xf32>
    %dot_general3A_34 = arith.constant dense<0.000000e+00> : vector<1000x256xf32>
    %dot_general3A_35 = tpu.matmul %mul3A_32, %slice3A_33, %dot_general3A_34 {dimension_numbers = #tpu.dot_dimension_numbers<[1], [1], [0], [0], [0, 0, 1, 0], [], []>, transpose_lhs_hint = false} : vector<1000x128xf32>, vector<256x128xf32>, vector<1000x256xf32> -> vector<1000x256xf32>
    %add3A_36 = arith.addf %add3A_26, %dot_general3A_35 : vector<1000x256xf32>
    %get3A_37 = arith.constant 0 : index
    %get3A_38 = arith.constant 0 : index
    %get3A_39 = arith.constant 0 : index
    %get3A_40 = vector.load %arg4[%get3A_37, %get3A_38, %get3A_39] : memref<1x1000x128xf32, #tpu.memory_space<vmem>>, vector<1x1000x128xf32>
    %get3A_41 = vector.shape_cast %get3A_40 : vector<1x1000x128xf32> to vector<1000x128xf32>
    %mul3A_42 = vector.broadcast %div3A_18 : vector<1000x1xf32> to vector<1000x128xf32>
    %mul3A_43 = arith.mulf %get3A_41, %mul3A_42 : vector<1000x128xf32>
    %slice3A_44 = vector.extract_strided_slice %get3A_21 {offsets = [0, 384], sizes = [256, 128], strides = [1, 1]} : vector<256x512xf32> to vector<256x128xf32>
    %dot_general3A_45 = arith.constant dense<0.000000e+00> : vector<1000x256xf32>
    %dot_general3A_46 = tpu.matmul %mul3A_43, %slice3A_44, %dot_general3A_45 {dimension_numbers = #tpu.dot_dimension_numbers<[1], [1], [0], [0], [0, 0, 1, 0], [], []>, transpose_lhs_hint = false} : vector<1000x128xf32>, vector<256x128xf32>, vector<1000x256xf32> -> vector<1000x256xf32>
    %add3A_47 = arith.addf %add3A_36, %dot_general3A_46 : vector<1000x256xf32>
    %get3A_48 = arith.constant 0 : index
    %get3A_49 = arith.constant 0 : index
    %get3A_50 = vector.load %arg8[%get3A_48, %get3A_49] : memref<1x256xf32, #tpu.memory_space<vmem>>, vector<1x256xf32>
    %add3A_51 = vector.broadcast %get3A_50 : vector<1x256xf32> to vector<1000x256xf32>
    %add3A_52 = arith.addf %add3A_47, %add3A_51 : vector<1000x256xf32>
    %mul3A_53 = arith.mulf %add3A_52, %add3A_52 : vector<1000x256xf32>
    %reduce_sum3A = arith.constant dense<0.000000e+00> : vector<1000xf32>
    %reduce_sum3A_54 = vector.multi_reduction <add>, %mul3A_53, %reduce_sum3A [1] : vector<1000x256xf32> to vector<1000xf32>
    %broadcast_in_dim3A = vector.shape_cast %reduce_sum3A_54 : vector<1000xf32> to vector<1000x1xf32>
    %sqrt3A = math.sqrt %broadcast_in_dim3A : vector<1000x1xf32>
    %max3A_55 = arith.constant 9.99999996E-13 : f32
    %max3A_56 = vector.broadcast %max3A_55 : f32 to vector<1000x1xf32>
    %max3A_57 = arith.maximumf %sqrt3A, %max3A_56 : vector<1000x1xf32>
    %div3A_58 = vector.broadcast %max3A_57 : vector<1000x1xf32> to vector<1000x256xf32>
    %div3A_59 = arith.divf %add3A_52, %div3A_58 : vector<1000x256xf32>
    %max3A_60 = arith.constant 0.000000e+00 : f32
    %max3A_61 = vector.broadcast %max3A_60 : f32 to vector<1000x256xf32>
    %max3A_62 = arith.maximumf %div3A_59, %max3A_61 : vector<1000x256xf32>
    %mul3A_63 = arith.constant 0.999994993 : f32
    %mul3A_64 = vector.broadcast %mul3A_63 : f32 to vector<1000x256xf32>
    %mul3A_65 = arith.mulf %max3A_62, %mul3A_64 : vector<1000x256xf32>
    %slice3A_66 = vector.extract_strided_slice %mul3A_65 {offsets = [0, 0], sizes = [1000, 128], strides = [1, 1]} : vector<1000x256xf32> to vector<1000x128xf32>
    %add3A_67 = arith.addf %get3A_1, %slice3A_66 : vector<1000x128xf32>
    %swap3A = arith.constant 0 : index
    %swap3A_68 = arith.constant 0 : index
    %swap3A_69 = vector.load %arg9[%swap3A, %swap3A_68] : memref<1000x128xf32, #tpu.memory_space<vmem>>, vector<1000x128xf32>
    tpu.vector_store %arg9[%swap3A, %swap3A_68], %add3A_67 {strides = array<i32>} : memref<1000x128xf32, #tpu.memory_space<vmem>>, vector<1000x128xf32>,
    %slice3A_70 = vector.extract_strided_slice %mul3A_65 {offsets = [0, 128], sizes = [1000, 128], strides = [1, 1]} : vector<1000x256xf32> to vector<1000x128xf32>
    %add3A_71 = arith.addf %get3A_4, %slice3A_70 : vector<1000x128xf32>
    %swap3A_72 = arith.constant 0 : index
    %swap3A_73 = arith.constant 0 : index
    %swap3A_74 = vector.load %arg10[%swap3A_72, %swap3A_73] : memref<1000x128xf32, #tpu.memory_space<vmem>>, vector<1000x128xf32>
    tpu.vector_store %arg10[%swap3A_72, %swap3A_73], %add3A_71 {strides = array<i32>} : memref<1000x128xf32, #tpu.memory_space<vmem>>, vector<1000x128xf32>,
    return
  }
  func.func @transform_0(%arg0: i32) -> (i32, i32) {
    %c0_i32 = arith.constant 0 : i32
    %c0_i32_0 = arith.constant 0 : i32
    return %arg0, %c0_i32 : i32, i32
  }
  func.func @transform_1(%arg0: i32) -> (i32, i32) {
    %c0_i32 = arith.constant 0 : i32
    %c0_i32_0 = arith.constant 0 : i32
    return %arg0, %c0_i32 : i32, i32
  }
  func.func @transform_2(%arg0: i32) -> (i32, i32, i32) {
    %c0_i32 = arith.constant 0 : i32
    %c0_i32_0 = arith.constant 0 : i32
    %c0_i32_1 = arith.constant 0 : i32
    return %c0_i32, %arg0, %c0_i32_0 : i32, i32, i32
  }
  func.func @transform_3(%arg0: i32) -> (i32, i32, i32) {
    %c1_i32 = arith.constant 1 : i32
    %c0_i32 = arith.constant 0 : i32
    %c0_i32_0 = arith.constant 0 : i32
    return %c1_i32, %arg0, %c0_i32 : i32, i32, i32
  }
  func.func @transform_4(%arg0: i32) -> (i32, i32, i32) {
    %c0_i32 = arith.constant 0 : i32
    %c0_i32_0 = arith.constant 0 : i32
    %c0_i32_1 = arith.constant 0 : i32
    return %c0_i32, %arg0, %c0_i32_0 : i32, i32, i32
  }
  func.func @transform_5(%arg0: i32) -> (i32, i32, i32) {
    %c1_i32 = arith.constant 1 : i32
    %c0_i32 = arith.constant 0 : i32
    %c0_i32_0 = arith.constant 0 : i32
    return %c1_i32, %arg0, %c0_i32 : i32, i32, i32
  }
  func.func @transform_6(%arg0: i32) -> (i32, i32) {
    %c0_i32 = arith.constant 0 : i32
    %c0_i32_0 = arith.constant 0 : i32
    %c0_i32_1 = arith.constant 0 : i32
    return %c0_i32, %c0_i32_0 : i32, i32
  }
  func.func @transform_7(%arg0: i32) -> (i32, i32) {
    %c0_i32 = arith.constant 0 : i32
    %c0_i32_0 = arith.constant 0 : i32
    %c0_i32_1 = arith.constant 0 : i32
    return %c0_i32, %c0_i32_0 : i32, i32
  }
  func.func @transform_8(%arg0: i32) -> (i32, i32) {
    %c0_i32 = arith.constant 0 : i32
    %c0_i32_0 = arith.constant 0 : i32
    return %arg0, %c0_i32 : i32, i32
  }
  func.func @transform_9(%arg0: i32) -> (i32, i32) {
    %c0_i32 = arith.constant 0 : i32
    %c0_i32_0 = arith.constant 0 : i32
    return %arg0, %c0_i32 : i32, i32
  }
}

module attributes {stable_mosaic.version = 14 : i64} {
  func.func @_readout_body(%arg0: i32, %arg1: memref<1000x128xf32, #tpu.memory_space<vmem>>, %arg2: memref<1000x128xf32, #tpu.memory_space<vmem>>, %arg3: memref<128x256xf32, #tpu.memory_space<vmem>>, %arg4: memref<1x128xf32, #tpu.memory_space<vmem>>, %arg5: memref<64x128xf32, #tpu.memory_space<vmem>>, %arg6: memref<1x64xf32, #tpu.memory_space<vmem>>, %arg7: memref<2x64xf32, #tpu.memory_space<vmem>>, %arg8: memref<1x2xf32, #tpu.memory_space<vmem>>, %arg9: memref<1000x2xf32, #tpu.memory_space<vmem>>) attributes {dimension_semantics = [#tpu.dimension_semantics<arbitrary>], iteration_bounds = array<i64: 10>, scalar_prefetch = 0 : i64, scratch_operands = 0 : i64, tpu.core_type = #tpu.core_type<tc>, window_params = [{transform_indices = @transform_0, window_bounds = array<i64: 1000, 128>}, {transform_indices = @transform_1, window_bounds = array<i64: 1000, 128>}, {pipeline_mode = #tpu.pipeline_mode<synchronous>, transform_indices = @transform_2, window_bounds = array<i64: 128, 256>}, {pipeline_mode = #tpu.pipeline_mode<synchronous>, transform_indices = @transform_3, window_bounds = array<i64: 1, 128>}, {pipeline_mode = #tpu.pipeline_mode<synchronous>, transform_indices = @transform_4, window_bounds = array<i64: 64, 128>}, {pipeline_mode = #tpu.pipeline_mode<synchronous>, transform_indices = @transform_5, window_bounds = array<i64: 1, 64>}, {pipeline_mode = #tpu.pipeline_mode<synchronous>, transform_indices = @transform_6, window_bounds = array<i64: 2, 64>}, {pipeline_mode = #tpu.pipeline_mode<synchronous>, transform_indices = @transform_7, window_bounds = array<i64: 1, 2>}, {transform_indices = @transform_8, window_bounds = array<i64: 1000, 2>}]} {
    %get3A = arith.constant 0 : index
    %get3A_0 = arith.constant 0 : index
    %get3A_1 = vector.load %arg3[%get3A, %get3A_0] : memref<128x256xf32, #tpu.memory_space<vmem>>, vector<128x256xf32>
    %get3A_2 = arith.constant 0 : index
    %get3A_3 = arith.constant 0 : index
    %get3A_4 = vector.load %arg1[%get3A_2, %get3A_3] : memref<1000x128xf32, #tpu.memory_space<vmem>>, vector<1000x128xf32>
    %slice3A = vector.extract_strided_slice %get3A_1 {offsets = [0, 0], sizes = [128, 128], strides = [1, 1]} : vector<128x256xf32> to vector<128x128xf32>
    %dot_general3A = arith.constant dense<0.000000e+00> : vector<1000x128xf32>
    %dot_general3A_5 = tpu.matmul %get3A_4, %slice3A, %dot_general3A {dimension_numbers = #tpu.dot_dimension_numbers<[1], [1], [0], [0], [0, 0, 1, 0], [], []>, transpose_lhs_hint = false} : vector<1000x128xf32>, vector<128x128xf32>, vector<1000x128xf32> -> vector<1000x128xf32>
    %get3A_6 = arith.constant 0 : index
    %get3A_7 = arith.constant 0 : index
    %get3A_8 = vector.load %arg2[%get3A_6, %get3A_7] : memref<1000x128xf32, #tpu.memory_space<vmem>>, vector<1000x128xf32>
    %slice3A_9 = vector.extract_strided_slice %get3A_1 {offsets = [0, 128], sizes = [128, 128], strides = [1, 1]} : vector<128x256xf32> to vector<128x128xf32>
    %dot_general3A_10 = arith.constant dense<0.000000e+00> : vector<1000x128xf32>
    %dot_general3A_11 = tpu.matmul %get3A_8, %slice3A_9, %dot_general3A_10 {dimension_numbers = #tpu.dot_dimension_numbers<[1], [1], [0], [0], [0, 0, 1, 0], [], []>, transpose_lhs_hint = false} : vector<1000x128xf32>, vector<128x128xf32>, vector<1000x128xf32> -> vector<1000x128xf32>
    %add3A = arith.addf %dot_general3A_5, %dot_general3A_11 : vector<1000x128xf32>
    %get3A_12 = arith.constant 0 : index
    %get3A_13 = arith.constant 0 : index
    %get3A_14 = vector.load %arg4[%get3A_12, %get3A_13] : memref<1x128xf32, #tpu.memory_space<vmem>>, vector<1x128xf32>
    %add3A_15 = vector.broadcast %get3A_14 : vector<1x128xf32> to vector<1000x128xf32>
    %add3A_16 = arith.addf %add3A, %add3A_15 : vector<1000x128xf32>
    %max3A = arith.constant 0.000000e+00 : f32
    %max3A_17 = vector.broadcast %max3A : f32 to vector<1000x128xf32>
    %max3A_18 = arith.maximumf %add3A_16, %max3A_17 : vector<1000x128xf32>
    %get3A_19 = arith.constant 0 : index
    %get3A_20 = arith.constant 0 : index
    %get3A_21 = vector.load %arg5[%get3A_19, %get3A_20] : memref<64x128xf32, #tpu.memory_space<vmem>>, vector<64x128xf32>
    %dot_general3A_22 = arith.constant dense<0.000000e+00> : vector<1000x64xf32>
    %dot_general3A_23 = tpu.matmul %max3A_18, %get3A_21, %dot_general3A_22 {dimension_numbers = #tpu.dot_dimension_numbers<[1], [1], [0], [0], [0, 0, 1, 0], [], []>, transpose_lhs_hint = false} : vector<1000x128xf32>, vector<64x128xf32>, vector<1000x64xf32> -> vector<1000x64xf32>
    %get3A_24 = arith.constant 0 : index
    %get3A_25 = arith.constant 0 : index
    %get3A_26 = vector.load %arg6[%get3A_24, %get3A_25] : memref<1x64xf32, #tpu.memory_space<vmem>>, vector<1x64xf32>
    %add3A_27 = vector.broadcast %get3A_26 : vector<1x64xf32> to vector<1000x64xf32>
    %add3A_28 = arith.addf %dot_general3A_23, %add3A_27 : vector<1000x64xf32>
    %max3A_29 = arith.constant 0.000000e+00 : f32
    %max3A_30 = vector.broadcast %max3A_29 : f32 to vector<1000x64xf32>
    %max3A_31 = arith.maximumf %add3A_28, %max3A_30 : vector<1000x64xf32>
    %get3A_32 = arith.constant 0 : index
    %get3A_33 = arith.constant 0 : index
    %get3A_34 = vector.load %arg7[%get3A_32, %get3A_33] : memref<2x64xf32, #tpu.memory_space<vmem>>, vector<2x64xf32>
    %dot_general3A_35 = arith.constant dense<0.000000e+00> : vector<1000x2xf32>
    %dot_general3A_36 = tpu.matmul %max3A_31, %get3A_34, %dot_general3A_35 {dimension_numbers = #tpu.dot_dimension_numbers<[1], [1], [0], [0], [0, 0, 1, 0], [], []>, transpose_lhs_hint = false} : vector<1000x64xf32>, vector<2x64xf32>, vector<1000x2xf32> -> vector<1000x2xf32>
    %get3A_37 = arith.constant 0 : index
    %get3A_38 = arith.constant 0 : index
    %get3A_39 = vector.load %arg8[%get3A_37, %get3A_38] : memref<1x2xf32, #tpu.memory_space<vmem>>, vector<1x2xf32>
    %add3A_40 = vector.broadcast %get3A_39 : vector<1x2xf32> to vector<1000x2xf32>
    %add3A_41 = arith.addf %dot_general3A_36, %add3A_40 : vector<1000x2xf32>
    %swap3A = arith.constant 0 : index
    %swap3A_42 = arith.constant 0 : index
    %swap3A_43 = vector.load %arg9[%swap3A, %swap3A_42] : memref<1000x2xf32, #tpu.memory_space<vmem>>, vector<1000x2xf32>
    tpu.vector_store %arg9[%swap3A, %swap3A_42], %add3A_41 {strides = array<i32>} : memref<1000x2xf32, #tpu.memory_space<vmem>>, vector<1000x2xf32>,
    return
  }
  func.func @transform_0(%arg0: i32) -> (i32, i32) {
    %c0_i32 = arith.constant 0 : i32
    %c0_i32_0 = arith.constant 0 : i32
    return %arg0, %c0_i32 : i32, i32
  }
  func.func @transform_1(%arg0: i32) -> (i32, i32) {
    %c0_i32 = arith.constant 0 : i32
    %c0_i32_0 = arith.constant 0 : i32
    return %arg0, %c0_i32 : i32, i32
  }
  func.func @transform_2(%arg0: i32) -> (i32, i32) {
    %c0_i32 = arith.constant 0 : i32
    %c0_i32_0 = arith.constant 0 : i32
    %c0_i32_1 = arith.constant 0 : i32
    return %c0_i32, %c0_i32_0 : i32, i32
  }
  func.func @transform_3(%arg0: i32) -> (i32, i32) {
    %c0_i32 = arith.constant 0 : i32
    %c0_i32_0 = arith.constant 0 : i32
    %c0_i32_1 = arith.constant 0 : i32
    return %c0_i32, %c0_i32_0 : i32, i32
  }
  func.func @transform_4(%arg0: i32) -> (i32, i32) {
    %c0_i32 = arith.constant 0 : i32
    %c0_i32_0 = arith.constant 0 : i32
    %c0_i32_1 = arith.constant 0 : i32
    return %c0_i32, %c0_i32_0 : i32, i32
  }
  func.func @transform_5(%arg0: i32) -> (i32, i32) {
    %c0_i32 = arith.constant 0 : i32
    %c0_i32_0 = arith.constant 0 : i32
    %c0_i32_1 = arith.constant 0 : i32
    return %c0_i32, %c0_i32_0 : i32, i32
  }
  func.func @transform_6(%arg0: i32) -> (i32, i32) {
    %c0_i32 = arith.constant 0 : i32
    %c0_i32_0 = arith.constant 0 : i32
    %c0_i32_1 = arith.constant 0 : i32
    return %c0_i32, %c0_i32_0 : i32, i32
  }
  func.func @transform_7(%arg0: i32) -> (i32, i32) {
    %c0_i32 = arith.constant 0 : i32
    %c0_i32_0 = arith.constant 0 : i32
    %c0_i32_1 = arith.constant 0 : i32
    return %c0_i32, %c0_i32_0 : i32, i32
  }
  func.func @transform_8(%arg0: i32) -> (i32, i32) {
    %c0_i32 = arith.constant 0 : i32
    %c0_i32_0 = arith.constant 0 : i32
    return %arg0, %c0_i32 : i32, i32
  }
}

</mosaic_0001>

<sc_bundles>
// kernel: kernel.13.cloned.1.call-start
scs
__scs_entry_jumppad:
0x0: {  	(pc) =	sbr.rel $0x88, $3  }
0x1: {  	(tag) =	ssettag $0x0;
	lr =	simm.s32 $0x1  }
0x2: {  	[smem:$0x3F8F] =	sst lr;
	_ =	strace $0xD0000000  }
0x3: {  	_ = 	snop  }
0x4: {  	_ = 	snop  }
0x5: {  	_ = 	snop  }
0x6: {  	_ = 	snop  }
0x7: {  	_ = 	snop  }
__scs_overlays_trampoline_lowered:
0x8: {  	[smem:$0x3F9E] =	sst s0  }
0x9: {  	[smem:$0x3F9F] =	sst s1  }
0xa: {  	[smem:$0x3FA0] =	sst s2  }
0xb: {  	[smem:$0x3FA1] =	sst s3  }
0xc: {  	[smem:$0x3FA2] =	sst s4  }
0xd: {  	[smem:$0x3FA3] =	sst s5  }
0xe: {  	[smem:$0x3FA4] =	sst s6  }
0xf: {  	[smem:$0x3FA5] =	sst s7  }
0x10: {  	[smem:$0x3FA6] =	sst s8  }
0x11: {  	[smem:$0x3FA7] =	sst s9;
	s0 =	simm.s32 @!p0 $0x0  }
0x12: {  	s1 =	sld [smem:$0x3F8D];
	s0 =	simm.s32 @p0 $0x1  }
0x13: {  	[smem:$0x3FA8] =	sst s0;
	s0 =	simm.s32 @!p1 $0x0  }
0x14: {  	s2 =	sld [smem:$0x3F8C];
	s0 =	simm.s32 @p1 $0x1  }
0x15: {  	[smem:$0x3FA9] =	sst s0;
	s0 =	simm.s32 @!p2 $0x0  }
0x16: {  	s3 =	sld [smem:$0x3FDB];
	s0 =	simm.s32 @p2 $0x1  }
0x17: {  	s4 =	simm.s32 $0x1BF5;
	[smem:$0x3FAB] =	sst s0  }
0x18: {  	s0 =	sld [smem:$0x3F8E];
	_ =	swait.ge [sflag:s4], $0x0  }
0x19: {  	s7 =	sld [smem:$0x3F8F]  }
0x1a: {  	s8 =	sadd.s32 $0xFFFFE003, lr  }
0x1b: {  	s9 =	sadd.s32 $0xFFFFFEF7, lr;
	s5 =	simm.s32 $0xFFFFFFFF;
	p2 =	slt.u32 s8, $0xFFFFF086  }
0x1c: {  	p1 =	slt.u32 s9, $0xF7A;
	s5 =	simm.s32 @!p2 $0x0  }
0x1d: {  	s5 =	simm.s32 @p1 $0x1;
	p0 =	seq.s32 s7, s2  }
0x1e: {  	s7 =	smul.u32 @!p0 $0xF7A, s2;
	p2 =	seq.s32 @!p0 s5, $0x0  }
0x1f: {  	s9 =	smul.u32 $0xF7A, s1;
	s8 =	simm.s32 @!p0 $0x1BF5;
	p2 =	por !p2, p0  }
0x20: {  	[sflag:s8] =	ssyncset.s32 @!p0 $0xFFFFF086;
	s6 =	sadd.s32 @!p0 s3, s7;
	s7 =	simm.s32 @!p0 $0x108  }
0x21: {  	s3 =	sadd.s32 s3, s9;
	s6 =	sadd.s32 @!p0 $0x88, s6;
	s7 =	simm.s32 @p2 $0x1082  }
0x22: {  	[simem:s7], [sflag:s8] =	dma.local @!p0 [hbm:s6], $0xF7A  }
0x23: {  	s9 =	sor.u32 $0xD0000000, s2;
	s6 =	simm.s32 $0x108;
	_ =	swait.ge @!p0 [sflag:s8], $0x0  }
0x24: {  	s3 =	sadd.s32 $0x88, s3;
	s6 =	simm.s32 @!p1 $0x1082;
	[sflag:s4] =	ssyncset.s32 $0xFFFFF086  }
0x25: {  	[simem:s6], [sflag:s4] =	dma.local [hbm:s3], $0xF7A  }
0x26: {  	[smem:$0x3F8F] =	sst s1;
	(tag) =	ssettag s2;
	_ =	strace s9  }
0x27: {  	s1 =	sld [smem:$0x3F9F]  }
0x28: {  	s2 =	sld [smem:$0x3FA0]  }
0x29: {  	s4 =	sld [smem:$0x3FA2]  }
0x2a: {  	p0 =	seq.s32 s5, $0x0;
	s5 =	sld [smem:$0x3FA3]  }
0x2b: {  	s6 =	sld [smem:$0x3FA4]  }
0x2c: {  	s7 =	sld [smem:$0x3FA5]  }
0x2d: {  	s3 =	simm.s32 $0x108;
	s8 =	sld [smem:$0x3FA6]  }
0x2e: {  	s3 =	simm.s32 @!p0 $0x1082;
	s9 =	sld [smem:$0x3FA7]  }
0x2f: {  	lr =	sadd.s32 s0, s3;
	s0 =	sld [smem:$0x3F9E]  }
0x30: {  	s3 =	sld [smem:$0x3FA1]  }
0x31: {  	[smem:$0x3FAA] =	sst s10  }
0x32: {  	s10 =	sld [smem:$0x3FA8];
	_ =	sdelay $0x3  }
0x33: {  	p0 =	seq.s32 s10, $0x1;
	s10 =	sld [smem:$0x3FAA];
	_ =	sdelay $0x3  }
0x34: {  	[smem:$0x3FAA] =	sst s10  }
0x35: {  	s10 =	sld [smem:$0x3FA9];
	_ =	sdelay $0x3  }
0x36: {  	p1 =	seq.s32 s10, $0x1;
	s10 =	sld [smem:$0x3FAA];
	_ =	sdelay $0x3  }
0x37: {  	[smem:$0x3FAA] =	sst s10  }
0x38: {  	s10 =	sld [smem:$0x3FAB]  }
0x39: {  	_ = 	snop;
	(pc) =	sbr.ind lr, $3  }
0x3a: {  	_ = 	snop  }
0x3b: {  	_ = 	snop  }
0x3c: {  	p2 =	seq.s32 s10, $0x1;
	s10 =	sld [smem:$0x3FAA]  }
0x3d: {  	_ =	shalt  }
0x3e: {  	_ =	shalt  }
0x3f: {  	_ =	shalt  }
0x40: {  	_ =	shalt  }
0x41: {  	_ =	shalt  }
0x42: {  	_ =	shalt  }
0x43: {  	_ =	shalt  }
0x44: {  	_ =	shalt  }
0x45: {  	_ =	shalt  }
0x46: {  	_ =	shalt  }
0x47: {  	_ =	shalt  }
0x48: {  	_ =	shalt  }
0x49: {  	_ =	shalt  }
0x4a: {  	_ =	shalt  }
0x4b: {  	_ =	shalt  }
0x4c: {  	_ =	shalt  }
0x4d: {  	_ =	shalt  }
0x4e: {  	_ =	shalt  }
0x4f: {  	_ =	shalt  }
0x50: {  	_ =	shalt  }
0x51: {  	_ =	shalt  }
0x52: {  	_ =	shalt  }
0x53: {  	_ =	shalt  }
0x54: {  	_ =	shalt  }
0x55: {  	_ =	shalt  }
0x56: {  	_ =	shalt  }
0x57: {  	_ =	shalt  }
0x58: {  	_ =	shalt  }
0x59: {  	_ =	shalt  }
0x5a: {  	_ =	shalt  }
0x5b: {  	_ =	shalt  }
0x5c: {  	_ =	shalt  }
0x5d: {  	_ =	shalt  }
0x5e: {  	_ =	shalt  }
0x5f: {  	_ =	shalt  }
0x60: {  	_ =	shalt  }
0x61: {  	_ =	shalt  }
0x62: {  	_ =	shalt  }
0x63: {  	_ =	shalt  }
0x64: {  	_ =	shalt  }
0x65: {  	_ =	shalt  }
0x66: {  	_ =	shalt  }
0x67: {  	_ =	shalt  }
0x68: {  	_ =	shalt  }
0x69: {  	_ =	shalt  }
0x6a: {  	_ =	shalt  }
0x6b: {  	_ =	shalt  }
0x6c: {  	_ =	shalt  }
0x6d: {  	_ =	shalt  }
0x6e: {  	_ =	shalt  }
0x6f: {  	_ =	shalt  }
0x70: {  	_ =	shalt  }
0x71: {  	_ =	shalt  }
0x72: {  	_ =	shalt  }
0x73: {  	_ =	shalt  }
0x74: {  	_ =	shalt  }
0x75: {  	_ =	shalt  }
0x76: {  	_ =	shalt  }
0x77: {  	_ =	shalt  }
0x78: {  	_ =	shalt  }
0x79: {  	_ =	shalt  }
0x7a: {  	_ =	shalt  }
0x7b: {  	_ =	shalt  }
0x7c: {  	_ =	shalt  }
0x7d: {  	_ =	shalt  }
0x7e: {  	_ =	shalt  }
0x7f: {  	_ =	shalt  }
0x80: {  	_ =	shalt  }
0x81: {  	_ =	shalt  }
0x82: {  	_ =	shalt  }
0x83: {  	_ =	shalt  }
0x84: {  	_ =	shalt  }
0x85: {  	_ =	shalt  }
0x86: {  	_ =	shalt  }
0x87: {  	_ =	shalt  }
.Lfunc_end0:
.L_simem_size_0:
called_computation_lowered:
.L_overlay_start_0:
0x88: {  	s2 =	sld [smem:$0x3FD9]  }
0x89: {  	s3 =	sld [smem:$0x3FFE];
	_ =	sdelay $0x1  }
0x8a: {  	s1 =	srdreg.scid  }
0x8b: {  	s0 =	sand.u32 $0x1, s1  }
0x8c: {  	s17 =	sshll.u32 s0, $0xA;
	s2 =	sadd.s32 s3, s2  }
0x8d: {  	s2 =	sadd.s32 s2, s17  }
0x8e: {  	[smem:$0x3FB6] =	sst s2  }
0x8f: {  	_ = 	snop  }
0x90: {  	s18 =	sld [smem:$0x3FD0];
	(tm) =	ssettm $0x1  }
0x91: {  	s19 =	sld [smem:$0x3FFB];
	_ =	sdelay $0x3  }
0x92: {  	_ =	strace s19  }
0x93: {  	s2 =	sld [smem:$0x3FFC];
	_ =	sdelay $0x3  }
0x94: {  	_ =	strace s2  }
0x95: {  	s2 =	sld [smem:$0x3FFD];
	_ =	sdelay $0x3  }
0x96: {  	_ =	strace s2  }
0x97: {  	_ =	strace $0x8FFFFFFF  }
0x98: {  	s20 =	sld [smem:$0x3FDB];
	_ =	sdelay $0x1  }
0x99: {  	s4 =	simm.s32 $_scs_section_size  }
0x9a: {  	s5 =	simm.s32 $_size__tile_overlayer_lowered;
	s6 =	simm.s32 $_tile_overlayer_lowered  }
0x9b: {  	s7 =	simm.s32 $0x1BFF;
	s21 =	sshll.u32 s6, $0x1;
	s4 =	sadd.s32 s4, s20  }
0x9c: {  	s22 =	simm.s32 $0x0;
	s5 =	sshll.u32 s5, $0x1;
	s6 =	sadd.s32 s21, s4  }
0x9d: {  	[timem:s22], [sflag:s7] =	dma.local [hbm:s6], s5  }
0x9e: {  	_ =	swait.ge [sflag:s7], s5  }
0x9f: {  	s5 =	ssub.s32 $0x0, s5;
	[sflag:s7] =	ssyncset.done $0x0  }
0xa0: {  	[sflag:s7] =	ssyncadd.s32 s5;
	_ =	sdelay $0x1  }
0xa1: {  	s23 =	simm.s32 $0x1B8B  }
0xa2: {  	_ =	swait.ge [sflag:s23], $0x1  }
0xa3: {  	[sflag:s23] =	ssyncset.done $0x0  }
0xa4: {  	[sflag:s23] =	ssyncadd.s32 $0xFFFFFFFF  }
0xa5: {  	s5 =	sld [smem:$0x0]  }
0xa6: {  	s6 =	sand.u32 $0xFFFFFFFE, s1  }
0xa7: {  	p0 =	sne.s32 s1, s6  }
0xa8: {  	s6 =	sshll.u32 @p0 s6, $0xE  }
0xa9: {  	s6 =	sadd.s32 @p0 $0x11B8D, s6;
	s7 =	sshll.u32 @p0 s5, $0x11  }
0xaa: {  	s6 =	sor.u32 @p0 s7, s6  }
0xab: {  	[sflag:s6] =	ssyncadd.remote.s32 @p0 $0x1;
	_ =	sdelay $0x1  }
0xac: {  	s6 =	simm.s32 @p0 $0x1B8D  }
0xad: {  	_ =	swait.eq @p0 [sflag:s6], $0x1  }
0xae: {  	[sflag:s6] =	ssyncadd.s32 @p0 $0xFFFFFFFF  }
0xaf: {  	s7 =	sshll.u32 @!p0 s1, $0xE  }
0xb0: {  	s7 =	sor.u32 @!p0 $0x4000, s7;
	s6 =	simm.s32 @!p0 $0x1B8D  }
0xb1: {  	s5 =	sshll.u32 @!p0 s5, $0x11;
	s7 =	sadd.s32 @!p0 $0x11B8D, s7;
	_ =	swait.eq @!p0 [sflag:s6], $0x1  }
0xb2: {  	s5 =	sor.u32 @!p0 s5, s7;
	[sflag:s6] =	ssyncadd.s32 @!p0 $0xFFFFFFFF  }
0xb3: {  	s25 =	simm.s32 $0x1B8E;
	s24 =	sld [smem:$0x3FFE];
	[sflag:s5] =	ssyncadd.remote.s32 @!p0 $0x1  }
0xb4: {  	s26 =	simm.s32 $execute0_lowered;
	[smem:$0x3FD2] =	sst s25  }
0xb5: {  	s6 =	sshll.u32 s26, $0x1;
	_ =	strace $0x80000049;
	[dreg:$0x1] =	wrdreg $0xFFFFFFFF  }
0xb6: {  	s28 =	simm.s32 $_size_execute0_lowered;
	s4 =	sadd.s32 s4, s6;
	[dreg:$0x0] =	wrdreg $0x0  }
0xb7: {  	s6 =	sshll.u32 s28, $0x1;
	[dreg:$0x2] =	wrdreg s4  }
0xb8: {  	[dreg:$0x3] =	wrdreg s6  }
0xb9: {  	[dreg:$0x4] =	wrdreg $0xC0  }
0xba: {  	_ =	task [dreg:s22], $0x5FFFF  }
0xbb: {  	[dreg:$0x1] =	wrdreg $0xFFFFFFFF  }
0xbc: {  	[dreg:$0x0] =	wrdreg $0x60  }
0xbd: {  	[dreg:$0x2] =	wrdreg s24  }
0xbe: {  	[dreg:$0x3] =	wrdreg s18  }
0xbf: {  	[dreg:$0x4] =	wrdreg $0x0  }
0xc0: {  	[dreg:$0x5] =	wrdreg $0x9  }
0xc1: {  	_ =	task.clear_ibuf [dreg:s22], $0x6FFFF;
	_ =	strace $0x90000049  }
0xc2: {  	s29 =	simm.s32 $0x9;
	_ =	strace $0x8000004B  }
0xc3: {  	_ =	swait.ge [sflag:s29], $0x1  }
0xc4: {  	[sflag:s29] =	ssyncadd.s32 $0xFFFFFFFF  }
0xc5: {  	_ =	strace $0x9000004B  }
0xc6: {  	_ =	sfence  }
0xc7: {  	s30 =	sld [smem:$0x0];
	_ =	sdelay $0x2  }
0xc8: {  	s31 =	sshll.u32 s1, $0xD;
	s1 =	sshrl.u32 s1, $0x2  }
0xc9: {  	s4 =	sand.u32 $0x4000, s31;
	s1 =	sadd.s32 s1, s30  }
0xca: {  	s0 =	sor.u32 s4, s0;
	s1 =	sshll.u32 s1, $0x11  }
0xcb: {  	s0 =	sor.u32 s1, s0  }
0xcc: {  	s0 =	sadd.s32 $0x8F2B, s0  }
0xcd: {  	[sflag:s0] =	ssyncadd.remote.s32 $0x1  }
0xce: {  	_ =	sfence.sel $0xFFFF  }
0xcf: {  	[dreg:$0x0] =	wrdreg $0xFFFFFFFF;
	(pc) =	sbr.abs _section_cstart, $3  }
0xd0: {  	[dreg:$0x1] =	wrdreg $0xFFFFFFFF  }
0xd1: {  	_ =	task.clear_ibuf [dreg:s22], $0x2FFFF;
	_ =	strace $0x9FFFFFFF  }
0xd2: {  	(tm) =	ssettm $0x7FFFFFFF  }
0xd3: {  	_ =	shalt  }
tec
execute0_lowered:
.L_overlay_start_1:
0x0: {  	(tag) =	ssettag $0x1  }
0x1: {  	s5 =	rddreg [dreg:$0x0]  }
0x2: {  	s2 =	rddreg [dreg:$0x1]  }
0x3: {  	s3 =	rddreg [dreg:$0x2]  }
0x4: {  	s0 =	rddreg [dreg:$0x3]  }
0x5: {  	s4 =	simm.s32 $0x0;
	s1 =	stileid.u32;
	s6 =	srdreg.scid  }
0x6: {  	s13 =	simm.s32 $0x0;
	[smem:$0x7FF] =	sst s4;
	s7 =	smul.u32 $0x13C00, s1  }
0x7: {  	s6 =	sand.u32 $0x1, s6;
	s8 =	sshll.u32 s1, $0x5;
	s11 =	smul.u32 $0x4F000, s1  }
0x8: {  	s29 =	sshll.u32 s1, $0x6;
	_ =	strace $0x8000004A;
	s9 =	smul.u32 $0x13C000, s6  }
0x9: {  	s8 =	sadd.s32 s8, s5;
	s28 =	ssub.s32 $0x2, s6;
	s30 =	sshll.u32 s6, $0x4  }
0xa: {  	s6 =	sor.u32 $0x1C01, s29;
	s10 =	sshrl.u32 s7, $0x3;
	s12 =	sshrl.u32 s28, $0x1  }
0xb: {  	s11 =	sshrl.u32 s11, $0x2;
	s31 =	sadd.s32 s30, s8;
	s10 =	sadd.s32 s10, s5  }
0xc: {  	s7 =	sadd.s32 s7, s9;
	s9 =	ssub.s32 s28, s12;
	s11 =	sadd.s32 s11, s3  }
0xd: {  	s12 =	simm.s32 $0x13C80;
	s7 =	sshrl.u32 s7, $0x3;
	s8 =	smax.u32 s9, $0x1  }
0xe: {  	s9 =	sadd.s32 $0x5600, s31;
	s7 =	sadd.s32 s7, s5;
	s5 =	sadd.s32 $0x5DA00, s10  }
0xf: {  	s10 =	sshrl.u32 s11, $0x3;
	s11 =	simm.s32 $0x1;
	s7 =	sadd.s32 $0xD4200, s7  }
.LBB2_1:
0x10: {  	[spmem:s10], [sflag:s6] =	dma.local [hbm:s5], $0x2780  }
0x11: {  	_ =	swait.ge [sflag:s11], $0x2780  }
0x12: {  	[sflag:s11] =	ssyncset.done $0x0  }
0x13: {  	[sflag:s11] =	ssyncadd.s32 $0xFFFFD880  }
0x14: {  	[tilespmem:s12], [sflag:$0x1] =	stream.linear.gather [hbm4b:s2+s4], $0x4000, $0x38;
	[tilespmem:$0x17C80] =	vst v63  }
0x15: {  	s14 =	sadd.s32 $0x0, s1;
	_ =	swait.ge [sflag:s11], $0x4000  }
0x16: {  	p1 =	sgt.u32 s14, $0x270;
	[sflag:s11] =	ssyncset.done $0x0  }
0x17: {  	p0 =	por p1, p1;
	s14 =	simm.s32 @!p1 $0x0;
	[sflag:s11] =	ssyncadd.s32 $0xFFFFC000  }
0x18: {  	s15 =	simm.s32 @!p1 $0x13C00;
	s16 =	simm.s32 @!p0 $0x2;
	[bflag:$0x0] =	sbarrier.arrive $0xFFFF  }
0x19: {  	[tilespmem:s15], [sflag:$0x2] =	stream.linear.gather @!p0 [hbm4b:s9+s14], $0x80, $0x38;
	[tilespmem:$0x17C80] =	vst v63  }
0x1a: {  	_ =	swait.ge @!p0 [sflag:s16], $0x80  }
0x1b: {  	s31 =	sadd.s32 $0x10, s1;
	[sflag:s16] =	ssyncset.done @!p0 $0x0  }
0x1c: {  	s14 =	simm.s32 @!p0 $0x80;
	[sflag:s16] =	ssyncadd.s32 @!p0 $0xFFFFFF80;
	s16 =	simm.s32 @!p0 $0x13C80  }
0x1d: {  	[spmem:s3] =	stream.indirect.scatter.add.f32 @!p0 [tilespmem:s16], [sflag:$0x1], $0x80, s15, s14, $0xb8;
	[tilespmem:$0x17C80] =	vst v63  }
0x1e: {  	p1 =	sgt.u32 s31, $0x270;
	s16 =	simm.s32 @!p0 $0x1  }
0x1f: {  	s15 =	simm.s32 $0x20;
	s14 =	sadd.s32 $0x200, s9;
	_ =	swait.ge @!p0 [sflag:s16], $0x4000  }
.LBB2_2:
0x20: {  	s17 =	simm.s32 @!p1 $0x0  }
0x21: {  	s18 =	simm.s32 @!p1 $0x13C00;
	[sflag:s16] =	ssyncset.done @!p0 $0x0;
	s19 =	smov.u32 s15  }
0x22: {  	p2 =	por p0, p0;
	p0 =	por p1, p1;
	s15 =	sadd.s32 $0x10, s15  }
0x23: {  	s20 =	simm.s32 @!p0 $0x2;
	[sflag:s16] =	ssyncadd.s32 @!p2 $0xFFFFC000;
	p2 =	sne.s32 s15, $0x280  }
0x24: {  	[tilespmem:s18], [sflag:$0x2] =	stream.linear.gather @!p0 [hbm4b:s14+s17], $0x80, $0x38;
	[tilespmem:$0x17C80] =	vst v63  }
.Ltmp0:
0x25: {  	_ =	swait.ge @!p0 [sflag:s20], $0x80;
	(pc) =	sbr.rel @p2 .LBB2_2-.Ltmp0, $4  }
0x26: {  	s16 =	simm.s32 @!p0 $0x1;
	s17 =	sadd.s32 s19, s1;
	[sflag:s20] =	ssyncset.done @!p0 $0x0  }
0x27: {  	s19 =	simm.s32 @!p0 $0x80;
	[sflag:s20] =	ssyncadd.s32 @!p0 $0xFFFFFF80;
	s20 =	simm.s32 @!p0 $0x13C80  }
0x28: {  	[spmem:s3] =	stream.indirect.scatter.add.f32 @!p0 [tilespmem:s20], [sflag:$0x1], $0x80, s18, s19, $0xb8;
	[tilespmem:$0x17C80] =	vst v63  }
0x29: {  	s14 =	sadd.s32 $0x200, s14;
	p1 =	sgt.u32 s17, $0x270;
	_ =	swait.ge @!p0 [sflag:s16], $0x4000  }
0x2a: {  	s15 =	simm.s32 @!p1 $0x0  }
0x2b: {  	[sflag:s16] =	ssyncset.done @!p0 $0x0;
	p0 =	por p0, p0;
	p2 =	por p1, p1  }
0x2c: {  	s17 =	simm.s32 @!p1 $0x13C00;
	s18 =	simm.s32 @!p2 $0x2;
	[sflag:s16] =	ssyncadd.s32 @!p0 $0xFFFFC000  }
0x2d: {  	[tilespmem:s17], [sflag:$0x2] =	stream.linear.gather @!p2 [hbm4b:s14+s15], $0x80, $0x38;
	[tilespmem:$0x17C80] =	vst v63  }
0x2e: {  	_ =	swait.ge @!p2 [sflag:s18], $0x80  }
0x2f: {  	s16 =	simm.s32 @!p2 $0x13C80;
	[sflag:s18] =	ssyncset.done @!p2 $0x0  }
0x30: {  	s14 =	simm.s32 @!p2 $0x1;
	s15 =	simm.s32 @!p2 $0x80;
	[sflag:s18] =	ssyncadd.s32 @!p2 $0xFFFFFF80  }
0x31: {  	[spmem:s3] =	stream.indirect.scatter.add.f32 @!p2 [tilespmem:s16], [sflag:$0x1], $0x80, s17, s15, $0xb8;
	[tilespmem:$0x17C80] =	vst v63  }
0x32: {  	_ =	swait.ge @!p2 [sflag:s14], $0x4000  }
0x33: {  	s13 =	sadd.s32 $0x1, s13;
	p0 =	por p2, p2;
	[sflag:s14] =	ssyncset.done @!p2 $0x0  }
0x34: {  	[sflag:s14] =	ssyncadd.s32 @!p0 $0xFFFFC000;
	p0 =	sne.s32 s13, s8  }
.Ltmp1:
0x35: {  	[bflag:$0x0] =	sbarrier.arrive $0xFFFF;
	(pc) =	sbr.rel @p0 .LBB2_1-.Ltmp1, $4  }
0x36: {  	[hbm:s7], [sflag:s6] =	dma.local [spmem:s10], $0x2780  }
0x37: {  	_ =	swait.ge [sflag:s11], $0x2780  }
0x38: {  	[sflag:s11] =	ssyncset.done $0x0  }
0x39: {  	[sflag:s11] =	ssyncadd.s32 $0xFFFFD880  }
0x3a: {  	_ =	sfence.sel $0x180000  }
0x3b: {  	[bflag:$0x0] =	sbarrier.arrive $0xFFFF  }
0x3c: {  	p0 =	sne.s32 s1, $0x0;
	_ =	strace $0x9000004A  }
0x3d: {  	s0 =	sadd.s32 @!p0 $0x100000, s0;
	[bflag:$0x2] =	sbarrier.arrive $0xFFFF  }
0x3e: {  	[sflag:s0] =	ssyncadd.tile.s32 @!p0 $0x1;
	_ =	shalt  }
.Lfunc_end2:
_tile_overlayer_lowered:
.L_overlay_start_2:
0x3f: {  	(tag) =	ssettag $0x2  }
0x40: {  	s0 =	rddreg [dreg:$0x0];
	s2 =	stileid.u32  }
0x41: {  	s1 =	rddreg [dreg:$0x1];
	p0 =	sne.s32 s2, $0x0  }
0x42: {  	s3 =	rddreg [dreg:$0x2];
	[bflag:$0x3] =	sbarrier.arrive $0xFFFF;
	s2 =	simm.s32 @!p0 $0x1C01  }
0x43: {  	[timem:s3], [sflag:s2] =	dma.local @!p0 [hbm:s0], s1  }
0x44: {  	s0 =	simm.s32 @!p0 $0x1  }
0x45: {  	_ =	swait.ge @!p0 [sflag:s0], s1  }
0x46: {  	s1 =	ssub.s32 @!p0 $0x0, s1;
	[sflag:s0] =	ssyncset.done @!p0 $0x0  }
0x47: {  	[sflag:s0] =	ssyncadd.s32 @!p0 s1  }
0x48: {  	[bflag:$0x3] =	sbarrier.arrive $0xFFFF  }
0x49: {  	_ =	shalt  }

// kernel: kernel.16.cloned.1.call-start
scs
__scs_entry_jumppad:
0x0: {  	(pc) =	sbr.rel $0x88, $3  }
0x1: {  	(tag) =	ssettag $0x0;
	lr =	simm.s32 $0x1  }
0x2: {  	[smem:$0x3F8F] =	sst lr;
	_ =	strace $0xD0000000  }
0x3: {  	_ = 	snop  }
0x4: {  	_ = 	snop  }
0x5: {  	_ = 	snop  }
0x6: {  	_ = 	snop  }
0x7: {  	_ = 	snop  }
__scs_overlays_trampoline_lowered:
0x8: {  	[smem:$0x3F9E] =	sst s0  }
0x9: {  	[smem:$0x3F9F] =	sst s1  }
0xa: {  	[smem:$0x3FA0] =	sst s2  }
0xb: {  	[smem:$0x3FA1] =	sst s3  }
0xc: {  	[smem:$0x3FA2] =	sst s4  }
0xd: {  	[smem:$0x3FA3] =	sst s5  }
0xe: {  	[smem:$0x3FA4] =	sst s6  }
0xf: {  	[smem:$0x3FA5] =	sst s7  }
0x10: {  	[smem:$0x3FA6] =	sst s8  }
0x11: {  	[smem:$0x3FA7] =	sst s9;
	s0 =	simm.s32 @!p0 $0x0  }
0x12: {  	s1 =	sld [smem:$0x3F8D];
	s0 =	simm.s32 @p0 $0x1  }
0x13: {  	[smem:$0x3FA8] =	sst s0;
	s0 =	simm.s32 @!p1 $0x0  }
0x14: {  	s2 =	sld [smem:$0x3F8C];
	s0 =	simm.s32 @p1 $0x1  }
0x15: {  	[smem:$0x3FA9] =	sst s0;
	s0 =	simm.s32 @!p2 $0x0  }
0x16: {  	s3 =	sld [smem:$0x3FDB];
	s0 =	simm.s32 @p2 $0x1  }
0x17: {  	s4 =	simm.s32 $0x1BF5;
	[smem:$0x3FAB] =	sst s0  }
0x18: {  	s0 =	sld [smem:$0x3F8E];
	_ =	swait.ge [sflag:s4], $0x0  }
0x19: {  	s7 =	sld [smem:$0x3F8F]  }
0x1a: {  	s8 =	sadd.s32 $0xFFFFE003, lr  }
0x1b: {  	s9 =	sadd.s32 $0xFFFFFEF7, lr;
	s5 =	simm.s32 $0xFFFFFFFF;
	p2 =	slt.u32 s8, $0xFFFFF086  }
0x1c: {  	p1 =	slt.u32 s9, $0xF7A;
	s5 =	simm.s32 @!p2 $0x0  }
0x1d: {  	s5 =	simm.s32 @p1 $0x1;
	p0 =	seq.s32 s7, s2  }
0x1e: {  	s7 =	smul.u32 @!p0 $0xF7A, s2;
	p2 =	seq.s32 @!p0 s5, $0x0  }
0x1f: {  	s9 =	smul.u32 $0xF7A, s1;
	s8 =	simm.s32 @!p0 $0x1BF5;
	p2 =	por !p2, p0  }
0x20: {  	[sflag:s8] =	ssyncset.s32 @!p0 $0xFFFFF086;
	s6 =	sadd.s32 @!p0 s3, s7;
	s7 =	simm.s32 @!p0 $0x108  }
0x21: {  	s3 =	sadd.s32 s3, s9;
	s6 =	sadd.s32 @!p0 $0x88, s6;
	s7 =	simm.s32 @p2 $0x1082  }
0x22: {  	[simem:s7], [sflag:s8] =	dma.local @!p0 [hbm:s6], $0xF7A  }
0x23: {  	s9 =	sor.u32 $0xD0000000, s2;
	s6 =	simm.s32 $0x108;
	_ =	swait.ge @!p0 [sflag:s8], $0x0  }
0x24: {  	s3 =	sadd.s32 $0x88, s3;
	s6 =	simm.s32 @!p1 $0x1082;
	[sflag:s4] =	ssyncset.s32 $0xFFFFF086  }
0x25: {  	[simem:s6], [sflag:s4] =	dma.local [hbm:s3], $0xF7A  }
0x26: {  	[smem:$0x3F8F] =	sst s1;
	(tag) =	ssettag s2;
	_ =	strace s9  }
0x27: {  	s1 =	sld [smem:$0x3F9F]  }
0x28: {  	s2 =	sld [smem:$0x3FA0]  }
0x29: {  	s4 =	sld [smem:$0x3FA2]  }
0x2a: {  	p0 =	seq.s32 s5, $0x0;
	s5 =	sld [smem:$0x3FA3]  }
0x2b: {  	s6 =	sld [smem:$0x3FA4]  }
0x2c: {  	s7 =	sld [smem:$0x3FA5]  }
0x2d: {  	s3 =	simm.s32 $0x108;
	s8 =	sld [smem:$0x3FA6]  }
0x2e: {  	s3 =	simm.s32 @!p0 $0x1082;
	s9 =	sld [smem:$0x3FA7]  }
0x2f: {  	lr =	sadd.s32 s0, s3;
	s0 =	sld [smem:$0x3F9E]  }
0x30: {  	s3 =	sld [smem:$0x3FA1]  }
0x31: {  	[smem:$0x3FAA] =	sst s10  }
0x32: {  	s10 =	sld [smem:$0x3FA8];
	_ =	sdelay $0x3  }
0x33: {  	p0 =	seq.s32 s10, $0x1;
	s10 =	sld [smem:$0x3FAA];
	_ =	sdelay $0x3  }
0x34: {  	[smem:$0x3FAA] =	sst s10  }
0x35: {  	s10 =	sld [smem:$0x3FA9];
	_ =	sdelay $0x3  }
0x36: {  	p1 =	seq.s32 s10, $0x1;
	s10 =	sld [smem:$0x3FAA];
	_ =	sdelay $0x3  }
0x37: {  	[smem:$0x3FAA] =	sst s10  }
0x38: {  	s10 =	sld [smem:$0x3FAB]  }
0x39: {  	_ = 	snop;
	(pc) =	sbr.ind lr, $3  }
0x3a: {  	_ = 	snop  }
0x3b: {  	_ = 	snop  }
0x3c: {  	p2 =	seq.s32 s10, $0x1;
	s10 =	sld [smem:$0x3FAA]  }
0x3d: {  	_ =	shalt  }
0x3e: {  	_ =	shalt  }
0x3f: {  	_ =	shalt  }
0x40: {  	_ =	shalt  }
0x41: {  	_ =	shalt  }
0x42: {  	_ =	shalt  }
0x43: {  	_ =	shalt  }
0x44: {  	_ =	shalt  }
0x45: {  	_ =	shalt  }
0x46: {  	_ =	shalt  }
0x47: {  	_ =	shalt  }
0x48: {  	_ =	shalt  }
0x49: {  	_ =	shalt  }
0x4a: {  	_ =	shalt  }
0x4b: {  	_ =	shalt  }
0x4c: {  	_ =	shalt  }
0x4d: {  	_ =	shalt  }
0x4e: {  	_ =	shalt  }
0x4f: {  	_ =	shalt  }
0x50: {  	_ =	shalt  }
0x51: {  	_ =	shalt  }
0x52: {  	_ =	shalt  }
0x53: {  	_ =	shalt  }
0x54: {  	_ =	shalt  }
0x55: {  	_ =	shalt  }
0x56: {  	_ =	shalt  }
0x57: {  	_ =	shalt  }
0x58: {  	_ =	shalt  }
0x59: {  	_ =	shalt  }
0x5a: {  	_ =	shalt  }
0x5b: {  	_ =	shalt  }
0x5c: {  	_ =	shalt  }
0x5d: {  	_ =	shalt  }
0x5e: {  	_ =	shalt  }
0x5f: {  	_ =	shalt  }
0x60: {  	_ =	shalt  }
0x61: {  	_ =	shalt  }
0x62: {  	_ =	shalt  }
0x63: {  	_ =	shalt  }
0x64: {  	_ =	shalt  }
0x65: {  	_ =	shalt  }
0x66: {  	_ =	shalt  }
0x67: {  	_ =	shalt  }
0x68: {  	_ =	shalt  }
0x69: {  	_ =	shalt  }
0x6a: {  	_ =	shalt  }
0x6b: {  	_ =	shalt  }
0x6c: {  	_ =	shalt  }
0x6d: {  	_ =	shalt  }
0x6e: {  	_ =	shalt  }
0x6f: {  	_ =	shalt  }
0x70: {  	_ =	shalt  }
0x71: {  	_ =	shalt  }
0x72: {  	_ =	shalt  }
0x73: {  	_ =	shalt  }
0x74: {  	_ =	shalt  }
0x75: {  	_ =	shalt  }
0x76: {  	_ =	shalt  }
0x77: {  	_ =	shalt  }
0x78: {  	_ =	shalt  }
0x79: {  	_ =	shalt  }
0x7a: {  	_ =	shalt  }
0x7b: {  	_ =	shalt  }
0x7c: {  	_ =	shalt  }
0x7d: {  	_ =	shalt  }
0x7e: {  	_ =	shalt  }
0x7f: {  	_ =	shalt  }
0x80: {  	_ =	shalt  }
0x81: {  	_ =	shalt  }
0x82: {  	_ =	shalt  }
0x83: {  	_ =	shalt  }
0x84: {  	_ =	shalt  }
0x85: {  	_ =	shalt  }
0x86: {  	_ =	shalt  }
0x87: {  	_ =	shalt  }
.Lfunc_end0:
.L_simem_size_0:
called_computation.1_lowered:
.L_overlay_start_0:
0x88: {  	s2 =	sld [smem:$0x3FD9]  }
0x89: {  	s3 =	sld [smem:$0x3FFE];
	_ =	sdelay $0x1  }
0x8a: {  	s1 =	srdreg.scid  }
0x8b: {  	s0 =	sand.u32 $0x1, s1  }
0x8c: {  	s16 =	sshll.u32 s0, $0xA;
	s2 =	sadd.s32 s3, s2  }
0x8d: {  	s2 =	sadd.s32 s2, s16  }
0x8e: {  	[smem:$0x3FB6] =	sst s2  }
0x8f: {  	_ = 	snop  }
0x90: {  	(tm) =	ssettm $0x1  }
0x91: {  	s17 =	sld [smem:$0x3FFB];
	_ =	sdelay $0x3  }
0x92: {  	_ =	strace s17  }
0x93: {  	s2 =	sld [smem:$0x3FFC];
	_ =	sdelay $0x3  }
0x94: {  	_ =	strace s2  }
0x95: {  	s2 =	sld [smem:$0x3FFD];
	_ =	sdelay $0x3  }
0x96: {  	_ =	strace s2  }
0x97: {  	_ =	strace $0x8FFFFFFF  }
0x98: {  	s18 =	sld [smem:$0x3FDB];
	_ =	sdelay $0x1  }
0x99: {  	s19 =	simm.s32 $_scs_section_size  }
0x9a: {  	s4 =	simm.s32 $_size__tile_overlayer_lowered;
	s5 =	simm.s32 $_tile_overlayer_lowered  }
0x9b: {  	s22 =	simm.s32 $0x1BFF;
	s21 =	sshll.u32 s5, $0x1;
	s2 =	sadd.s32 s19, s18  }
0x9c: {  	s6 =	simm.s32 $0x0;
	s20 =	sshll.u32 s4, $0x1;
	s4 =	sadd.s32 s21, s2  }
0x9d: {  	[timem:s6], [sflag:s22] =	dma.local [hbm:s4], s20  }
0x9e: {  	_ =	swait.ge [sflag:s22], s20  }
0x9f: {  	s3 =	ssub.s32 $0x0, s20;
	[sflag:s22] =	ssyncset.done $0x0  }
0xa0: {  	[sflag:s22] =	ssyncadd.s32 s3;
	_ =	sdelay $0x1  }
0xa1: {  	s23 =	simm.s32 $0x1B8B  }
0xa2: {  	_ =	swait.ge [sflag:s23], $0x1  }
0xa3: {  	[sflag:s23] =	ssyncset.done $0x0  }
0xa4: {  	s25 =	simm.s32 $0x1B8E;
	s24 =	sld [smem:$0x3FFE];
	[sflag:s23] =	ssyncadd.s32 $0xFFFFFFFF  }
0xa5: {  	s26 =	simm.s32 $execute0_lowered;
	[smem:$0x3FD2] =	sst s25  }
0xa6: {  	s4 =	sshll.u32 s26, $0x1;
	_ =	strace $0x80000046;
	[dreg:$0x1] =	wrdreg $0xFFFFFFFF  }
0xa7: {  	s28 =	simm.s32 $_size_execute0_lowered;
	s2 =	sadd.s32 s2, s4;
	[dreg:$0x0] =	wrdreg $0x0  }
0xa8: {  	s4 =	sshll.u32 s28, $0x1;
	[dreg:$0x2] =	wrdreg s2  }
0xa9: {  	[dreg:$0x3] =	wrdreg s4  }
0xaa: {  	[dreg:$0x4] =	wrdreg $0xC0  }
0xab: {  	_ =	task [dreg:s6], $0x5FFFF  }
0xac: {  	[dreg:$0x1] =	wrdreg $0xFFFFFFFF  }
0xad: {  	[dreg:$0x0] =	wrdreg $0x60  }
0xae: {  	[dreg:$0x2] =	wrdreg s24  }
0xaf: {  	[dreg:$0x3] =	wrdreg $0x0  }
0xb0: {  	[dreg:$0x4] =	wrdreg $0xA  }
0xb1: {  	_ =	task.clear_ibuf [dreg:s6], $0x5FFFF;
	_ =	strace $0x90000046  }
0xb2: {  	s29 =	simm.s32 $0xA;
	_ =	strace $0x80000048  }
0xb3: {  	_ =	swait.ge [sflag:s29], $0x1  }
0xb4: {  	[sflag:s29] =	ssyncadd.s32 $0xFFFFFFFF  }
0xb5: {  	_ =	strace $0x90000048  }
0xb6: {  	_ =	sfence  }
0xb7: {  	s30 =	sld [smem:$0x0];
	_ =	sdelay $0x2  }
0xb8: {  	s31 =	sshll.u32 s1, $0xD;
	s1 =	sshrl.u32 s1, $0x2  }
0xb9: {  	s3 =	sand.u32 $0x4000, s31;
	s1 =	sadd.s32 s1, s30  }
0xba: {  	s0 =	sor.u32 s3, s0;
	s1 =	sshll.u32 s1, $0x11  }
0xbb: {  	s0 =	sor.u32 s1, s0  }
0xbc: {  	s0 =	sadd.s32 $0x8F2B, s0  }
0xbd: {  	[sflag:s0] =	ssyncadd.remote.s32 $0x1  }
0xbe: {  	_ =	sfence.sel $0xFFFF  }
0xbf: {  	[dreg:$0x0] =	wrdreg $0xFFFFFFFF;
	(pc) =	sbr.abs _section_cstart, $3  }
0xc0: {  	[dreg:$0x1] =	wrdreg $0xFFFFFFFF  }
0xc1: {  	_ =	task.clear_ibuf [dreg:s6], $0x2FFFF;
	_ =	strace $0x9FFFFFFF  }
0xc2: {  	(tm) =	ssettm $0x7FFFFFFF  }
0xc3: {  	_ =	shalt  }
tec
execute0_lowered:
.L_overlay_start_1:
0x0: {  	(tag) =	ssettag $0x1  }
0x1: {  	s8 =	rddreg [dreg:$0x0]  }
0x2: {  	s2 =	rddreg [dreg:$0x1]  }
0x3: {  	s0 =	rddreg [dreg:$0x2];
	s1 =	stileid.u32  }
0x4: {  	s4 =	srdreg.scid;
	s3 =	simm.s32 $0x0;
	s13 =	simm.s32 $0xF600  }
0x5: {  	s5 =	smul.u32 $0x13C00, s1;
	s6 =	sand.u32 $0x1, s4;
	[smem:$0x7FF] =	sst s3  }
0x6: {  	s26 =	sshll.u32 s1, $0x4;
	s29 =	smul.u32 $0x4F000, s1;
	s31 =	sshll.u32 s1, $0x6  }
0x7: {  	s7 =	smul.u32 $0x13C000, s6;
	_ =	strace $0x80000047;
	s10 =	sadd.s32 s26, s8  }
0x8: {  	s9 =	ssub.s32 $0x2, s6;
	p0 =	seq.s32 s6, $0x1;
	s28 =	sshrl.u32 s5, $0x3  }
0x9: {  	s30 =	sshrl.u32 s9, $0x1;
	s13 =	simm.s32 @!p0 $0x36800;
	s5 =	sadd.s32 s5, s7  }
0xa: {  	s4 =	sadd.s32 s28, s8;
	s7 =	sshrl.u32 s29, $0x2;
	s9 =	ssub.s32 s9, s30  }
0xb: {  	s5 =	sshrl.u32 s5, $0x3;
	s12 =	sadd.s32 s7, s2;
	s4 =	sadd.s32 $0x5DA00, s4  }
0xc: {  	s7 =	smax.u32 s9, $0x1;
	s9 =	sadd.s32 $0x5600, s10;
	s10 =	sadd.s32 $0xA600, s10  }
0xd: {  	s11 =	sadd.s32 s5, s8;
	s5 =	sor.u32 $0x1C02, s31;
	s8 =	sadd.s32 s13, s8  }
0xe: {  	s6 =	sadd.s32 $0x85200, s11;
	s11 =	sshrl.u32 s12, $0x3;
	s12 =	simm.s32 $0x2  }
.LBB2_1:
0xf: {  	[spmem:s11], [sflag:s5] =	dma.local [hbm:s4], $0x2780  }
0x10: {  	_ =	swait.ge [sflag:s12], $0x2780  }
0x11: {  	p0 =	sgt.u32 s1, $0x4E1;
	[sflag:s12] =	ssyncset.done $0x0  }
0x12: {  	s13 =	sadd.s32 @!p0 $0x0, s10;
	s14 =	simm.s32 @!p0 $0x0;
	[sflag:s12] =	ssyncadd.s32 $0xFFFFD880  }
0x13: {  	s15 =	simm.s32 @!p0 $0x13C00;
	s16 =	simm.s32 @!p0 $0x3;
	[bflag:$0x0] =	sbarrier.arrive $0xFFFF  }
0x14: {  	[tilespmem:s15], [sflag:$0x3] =	stream.linear.gather @!p0 [hbm4b:s13+s14], $0x80, $0x38;
	[tilespmem:$0x17D00] =	vst v63  }
0x15: {  	_ =	swait.ge @!p0 [sflag:s16], $0x80  }
0x16: {  	[sflag:s16] =	ssyncset.done @!p0 $0x0  }
0x17: {  	s17 =	simm.s32 @!p0 $0x13C80;
	s13 =	sadd.s32 @!p0 $0x0, s9;
	[sflag:s16] =	ssyncadd.s32 @!p0 $0xFFFFFF80  }
0x18: {  	[tilespmem:s17], [sflag:$0x3] =	stream.linear.gather @!p0 [hbm4b:s13+s14], $0x80, $0x38;
	[tilespmem:$0x17D00] =	vst v63  }
0x19: {  	_ =	swait.ge @!p0 [sflag:s16], $0x80;
	p0 =	por p0, p0  }
0x1a: {  	[sflag:s16] =	ssyncset.done @!p0 $0x0;
	s13 =	simm.s32 @!p0 $0x80  }
0x1b: {  	s14 =	simm.s32 @!p0 $0x13D00;
	[sflag:s16] =	ssyncadd.s32 @!p0 $0xFFFFFF80;
	s16 =	simm.s32 @!p0 $0x1  }
0x1c: {  	[tilespmem:s14], [sflag:$0x1] =	stream.indirect.gather @!p0 [hbm4b:s8+s13], $0x80, s15, s13, $0xb8;
	[tilespmem:$0x17D00] =	vst v63  }
0x1d: {  	_ =	swait.ge @!p0 [sflag:s16], $0x4000  }
0x1e: {  	[sflag:s16] =	ssyncset.done @!p0 $0x0  }
0x1f: {  	[sflag:s16] =	ssyncadd.s32 @!p0 $0xFFFFC000  }
0x20: {  	[spmem:s2] =	stream.indirect.scatter.add.f32 @!p0 [tilespmem:s14], [sflag:$0x2], $0x80, s17, s13, $0xb8;
	[tilespmem:$0x17D00] =	vst v63  }
0x21: {  	s15 =	simm.s32 $0x200;
	s16 =	simm.s32 @!p0 $0x2;
	s14 =	sadd.s32 $0x10, s1  }
0x22: {  	s13 =	simm.s32 $0x100;
	p1 =	sgt.u32 s14, $0x4E1;
	_ =	swait.ge @!p0 [sflag:s16], $0x4000  }
.LBB2_2:
0x23: {  	s17 =	sadd.s32 @!p1 s13, s10;
	s18 =	simm.s32 @!p1 $0x0;
	[sflag:s16] =	ssyncset.done @!p0 $0x0  }
0x24: {  	s19 =	simm.s32 @!p1 $0x13C00;
	s20 =	simm.s32 @!p1 $0x3;
	[sflag:s16] =	ssyncadd.s32 @!p0 $0xFFFFC000  }
0x25: {  	[tilespmem:s19], [sflag:$0x3] =	stream.linear.gather @!p1 [hbm4b:s17+s18], $0x80, $0x38;
	[tilespmem:$0x17D00] =	vst v63  }
0x26: {  	s16 =	smov.u32 s15;
	s15 =	sadd.s32 $0x100, s15;
	_ =	swait.ge @!p1 [sflag:s20], $0x80  }
0x27: {  	s21 =	simm.s32 @!p1 $0x13C80;
	s17 =	sadd.s32 @!p1 s13, s9;
	[sflag:s20] =	ssyncset.done @!p1 $0x0  }
0x28: {  	p2 =	sne.s32 s15, $0x4F00;
	s13 =	smov.u32 s16;
	[sflag:s20] =	ssyncadd.s32 @!p1 $0xFFFFFF80  }
0x29: {  	[tilespmem:s21], [sflag:$0x3] =	stream.linear.gather @!p1 [hbm4b:s17+s18], $0x80, $0x38;
	[tilespmem:$0x17D00] =	vst v63  }
0x2a: {  	p0 =	por p1, p1;
	_ =	swait.ge @!p1 [sflag:s20], $0x80  }
0x2b: {  	s17 =	simm.s32 @!p0 $0x80;
	s18 =	simm.s32 @!p0 $0x13D00;
	[sflag:s20] =	ssyncset.done @!p0 $0x0  }
0x2c: {  	s16 =	simm.s32 @!p0 $0x1;
	[sflag:s20] =	ssyncadd.s32 @!p0 $0xFFFFFF80  }
0x2d: {  	[tilespmem:s18], [sflag:$0x1] =	stream.indirect.gather @!p0 [hbm4b:s8+s17], $0x80, s19, s17, $0xb8;
	[tilespmem:$0x17D00] =	vst v63  }
.Ltmp0:
0x2e: {  	_ =	swait.ge @!p0 [sflag:s16], $0x4000;
	(pc) =	sbr.rel @p2 .LBB2_2-.Ltmp0, $4  }
0x2f: {  	[sflag:s16] =	ssyncset.done @!p0 $0x0  }
0x30: {  	s14 =	sadd.s32 $0x10, s14;
	[sflag:s16] =	ssyncadd.s32 @!p0 $0xFFFFC000;
	s16 =	simm.s32 @!p0 $0x2  }
0x31: {  	[spmem:s2] =	stream.indirect.scatter.add.f32 @!p0 [tilespmem:s18], [sflag:$0x2], $0x80, s21, s17, $0xb8;
	[tilespmem:$0x17D00] =	vst v63  }
0x32: {  	p1 =	sgt.u32 s14, $0x4E1;
	_ =	swait.ge @!p0 [sflag:s16], $0x4000  }
0x33: {  	s14 =	sadd.s32 @!p1 s13, s10;
	s15 =	simm.s32 @!p1 $0x0;
	[sflag:s16] =	ssyncset.done @!p0 $0x0  }
0x34: {  	s17 =	simm.s32 @!p1 $0x13C00;
	s18 =	simm.s32 @!p1 $0x3;
	[sflag:s16] =	ssyncadd.s32 @!p0 $0xFFFFC000  }
0x35: {  	[tilespmem:s17], [sflag:$0x3] =	stream.linear.gather @!p1 [hbm4b:s14+s15], $0x80, $0x38;
	[tilespmem:$0x17D00] =	vst v63  }
0x36: {  	_ =	swait.ge @!p1 [sflag:s18], $0x80  }
0x37: {  	[sflag:s18] =	ssyncset.done @!p1 $0x0  }
0x38: {  	s13 =	sadd.s32 @!p1 s13, s9;
	s14 =	simm.s32 @!p1 $0x13C80;
	[sflag:s18] =	ssyncadd.s32 @!p1 $0xFFFFFF80  }
0x39: {  	[tilespmem:s14], [sflag:$0x3] =	stream.linear.gather @!p1 [hbm4b:s13+s15], $0x80, $0x38;
	[tilespmem:$0x17D00] =	vst v63  }
0x3a: {  	p0 =	por p1, p1;
	_ =	swait.ge @!p1 [sflag:s18], $0x80  }
0x3b: {  	s16 =	simm.s32 @!p0 $0x1;
	[sflag:s18] =	ssyncset.done @!p0 $0x0  }
0x3c: {  	s13 =	simm.s32 @!p0 $0x80;
	s15 =	simm.s32 @!p0 $0x13D00;
	[sflag:s18] =	ssyncadd.s32 @!p0 $0xFFFFFF80  }
0x3d: {  	[tilespmem:s15], [sflag:$0x1] =	stream.indirect.gather @!p0 [hbm4b:s8+s13], $0x80, s17, s13, $0xb8;
	[tilespmem:$0x17D00] =	vst v63  }
0x3e: {  	_ =	swait.ge @!p0 [sflag:s16], $0x4000  }
0x3f: {  	[sflag:s16] =	ssyncset.done @!p0 $0x0  }
0x40: {  	[sflag:s16] =	ssyncadd.s32 @!p0 $0xFFFFC000;
	s16 =	simm.s32 @!p0 $0x2  }
0x41: {  	[spmem:s2] =	stream.indirect.scatter.add.f32 @!p0 [tilespmem:s15], [sflag:$0x2], $0x80, s14, s13, $0xb8;
	[tilespmem:$0x17D00] =	vst v63  }
0x42: {  	_ =	swait.ge @!p0 [sflag:s16], $0x4000  }
0x43: {  	s3 =	sadd.s32 $0x1, s3;
	[sflag:s16] =	ssyncset.done @!p0 $0x0  }
0x44: {  	[sflag:s16] =	ssyncadd.s32 @!p0 $0xFFFFC000;
	p0 =	sne.s32 s3, s7  }
.Ltmp1:
0x45: {  	[bflag:$0x0] =	sbarrier.arrive $0xFFFF;
	(pc) =	sbr.rel @p0 .LBB2_1-.Ltmp1, $4  }
0x46: {  	[hbm:s6], [sflag:s5] =	dma.local [spmem:s11], $0x2780  }
0x47: {  	_ =	swait.ge [sflag:s12], $0x2780  }
0x48: {  	[sflag:s12] =	ssyncset.done $0x0  }
0x49: {  	[sflag:s12] =	ssyncadd.s32 $0xFFFFD880  }
0x4a: {  	_ =	sfence.sel $0x180000  }
0x4b: {  	[bflag:$0x0] =	sbarrier.arrive $0xFFFF  }
0x4c: {  	p0 =	sne.s32 s1, $0x0;
	_ =	strace $0x90000047  }
0x4d: {  	s0 =	sadd.s32 @!p0 $0x100000, s0;
	[bflag:$0x2] =	sbarrier.arrive $0xFFFF  }
0x4e: {  	[sflag:s0] =	ssyncadd.tile.s32 @!p0 $0x1;
	_ =	shalt  }
.Lfunc_end2:
_tile_overlayer_lowered:
.L_overlay_start_2:
0x4f: {  	(tag) =	ssettag $0x2  }
0x50: {  	s0 =	rddreg [dreg:$0x0];
	s2 =	stileid.u32  }
0x51: {  	s1 =	rddreg [dreg:$0x1];
	p0 =	sne.s32 s2, $0x0  }
0x52: {  	s3 =	rddreg [dreg:$0x2];
	[bflag:$0x3] =	sbarrier.arrive $0xFFFF;
	s2 =	simm.s32 @!p0 $0x1C02  }
0x53: {  	[timem:s3], [sflag:s2] =	dma.local @!p0 [hbm:s0], s1  }
0x54: {  	s0 =	simm.s32 @!p0 $0x2  }
0x55: {  	_ =	swait.ge @!p0 [sflag:s0], s1  }
0x56: {  	s1 =	ssub.s32 @!p0 $0x0, s1;
	[sflag:s0] =	ssyncset.done @!p0 $0x0  }
0x57: {  	[sflag:s0] =	ssyncadd.s32 @!p0 s1  }
0x58: {  	[bflag:$0x3] =	sbarrier.arrive $0xFFFF  }
0x59: {  	_ =	shalt  }

// kernel: kernel.19.cloned.1.call-start
scs
__scs_entry_jumppad:
0x0: {  	(pc) =	sbr.rel $0x88, $3  }
0x1: {  	(tag) =	ssettag $0x0;
	lr =	simm.s32 $0x1  }
0x2: {  	[smem:$0x3F8F] =	sst lr;
	_ =	strace $0xD0000000  }
0x3: {  	_ = 	snop  }
0x4: {  	_ = 	snop  }
0x5: {  	_ = 	snop  }
0x6: {  	_ = 	snop  }
0x7: {  	_ = 	snop  }
__scs_overlays_trampoline_lowered:
0x8: {  	[smem:$0x3F9E] =	sst s0  }
0x9: {  	[smem:$0x3F9F] =	sst s1  }
0xa: {  	[smem:$0x3FA0] =	sst s2  }
0xb: {  	[smem:$0x3FA1] =	sst s3  }
0xc: {  	[smem:$0x3FA2] =	sst s4  }
0xd: {  	[smem:$0x3FA3] =	sst s5  }
0xe: {  	[smem:$0x3FA4] =	sst s6  }
0xf: {  	[smem:$0x3FA5] =	sst s7  }
0x10: {  	[smem:$0x3FA6] =	sst s8  }
0x11: {  	[smem:$0x3FA7] =	sst s9;
	s0 =	simm.s32 @!p0 $0x0  }
0x12: {  	s1 =	sld [smem:$0x3F8D];
	s0 =	simm.s32 @p0 $0x1  }
0x13: {  	[smem:$0x3FA8] =	sst s0;
	s0 =	simm.s32 @!p1 $0x0  }
0x14: {  	s2 =	sld [smem:$0x3F8C];
	s0 =	simm.s32 @p1 $0x1  }
0x15: {  	[smem:$0x3FA9] =	sst s0;
	s0 =	simm.s32 @!p2 $0x0  }
0x16: {  	s3 =	sld [smem:$0x3FDB];
	s0 =	simm.s32 @p2 $0x1  }
0x17: {  	s4 =	simm.s32 $0x1BF5;
	[smem:$0x3FAB] =	sst s0  }
0x18: {  	s0 =	sld [smem:$0x3F8E];
	_ =	swait.ge [sflag:s4], $0x0  }
0x19: {  	s7 =	sld [smem:$0x3F8F]  }
0x1a: {  	s8 =	sadd.s32 $0xFFFFE003, lr  }
0x1b: {  	s9 =	sadd.s32 $0xFFFFFEF7, lr;
	s5 =	simm.s32 $0xFFFFFFFF;
	p2 =	slt.u32 s8, $0xFFFFF086  }
0x1c: {  	p1 =	slt.u32 s9, $0xF7A;
	s5 =	simm.s32 @!p2 $0x0  }
0x1d: {  	s5 =	simm.s32 @p1 $0x1;
	p0 =	seq.s32 s7, s2  }
0x1e: {  	s7 =	smul.u32 @!p0 $0xF7A, s2;
	p2 =	seq.s32 @!p0 s5, $0x0  }
0x1f: {  	s9 =	smul.u32 $0xF7A, s1;
	s8 =	simm.s32 @!p0 $0x1BF5;
	p2 =	por !p2, p0  }
0x20: {  	[sflag:s8] =	ssyncset.s32 @!p0 $0xFFFFF086;
	s6 =	sadd.s32 @!p0 s3, s7;
	s7 =	simm.s32 @!p0 $0x108  }
0x21: {  	s3 =	sadd.s32 s3, s9;
	s6 =	sadd.s32 @!p0 $0x88, s6;
	s7 =	simm.s32 @p2 $0x1082  }
0x22: {  	[simem:s7], [sflag:s8] =	dma.local @!p0 [hbm:s6], $0xF7A  }
0x23: {  	s9 =	sor.u32 $0xD0000000, s2;
	s6 =	simm.s32 $0x108;
	_ =	swait.ge @!p0 [sflag:s8], $0x0  }
0x24: {  	s3 =	sadd.s32 $0x88, s3;
	s6 =	simm.s32 @!p1 $0x1082;
	[sflag:s4] =	ssyncset.s32 $0xFFFFF086  }
0x25: {  	[simem:s6], [sflag:s4] =	dma.local [hbm:s3], $0xF7A  }
0x26: {  	[smem:$0x3F8F] =	sst s1;
	(tag) =	ssettag s2;
	_ =	strace s9  }
0x27: {  	s1 =	sld [smem:$0x3F9F]  }
0x28: {  	s2 =	sld [smem:$0x3FA0]  }
0x29: {  	s4 =	sld [smem:$0x3FA2]  }
0x2a: {  	p0 =	seq.s32 s5, $0x0;
	s5 =	sld [smem:$0x3FA3]  }
0x2b: {  	s6 =	sld [smem:$0x3FA4]  }
0x2c: {  	s7 =	sld [smem:$0x3FA5]  }
0x2d: {  	s3 =	simm.s32 $0x108;
	s8 =	sld [smem:$0x3FA6]  }
0x2e: {  	s3 =	simm.s32 @!p0 $0x1082;
	s9 =	sld [smem:$0x3FA7]  }
0x2f: {  	lr =	sadd.s32 s0, s3;
	s0 =	sld [smem:$0x3F9E]  }
0x30: {  	s3 =	sld [smem:$0x3FA1]  }
0x31: {  	[smem:$0x3FAA] =	sst s10  }
0x32: {  	s10 =	sld [smem:$0x3FA8];
	_ =	sdelay $0x3  }
0x33: {  	p0 =	seq.s32 s10, $0x1;
	s10 =	sld [smem:$0x3FAA];
	_ =	sdelay $0x3  }
0x34: {  	[smem:$0x3FAA] =	sst s10  }
0x35: {  	s10 =	sld [smem:$0x3FA9];
	_ =	sdelay $0x3  }
0x36: {  	p1 =	seq.s32 s10, $0x1;
	s10 =	sld [smem:$0x3FAA];
	_ =	sdelay $0x3  }
0x37: {  	[smem:$0x3FAA] =	sst s10  }
0x38: {  	s10 =	sld [smem:$0x3FAB]  }
0x39: {  	_ = 	snop;
	(pc) =	sbr.ind lr, $3  }
0x3a: {  	_ = 	snop  }
0x3b: {  	_ = 	snop  }
0x3c: {  	p2 =	seq.s32 s10, $0x1;
	s10 =	sld [smem:$0x3FAA]  }
0x3d: {  	_ =	shalt  }
0x3e: {  	_ =	shalt  }
0x3f: {  	_ =	shalt  }
0x40: {  	_ =	shalt  }
0x41: {  	_ =	shalt  }
0x42: {  	_ =	shalt  }
0x43: {  	_ =	shalt  }
0x44: {  	_ =	shalt  }
0x45: {  	_ =	shalt  }
0x46: {  	_ =	shalt  }
0x47: {  	_ =	shalt  }
0x48: {  	_ =	shalt  }
0x49: {  	_ =	shalt  }
0x4a: {  	_ =	shalt  }
0x4b: {  	_ =	shalt  }
0x4c: {  	_ =	shalt  }
0x4d: {  	_ =	shalt  }
0x4e: {  	_ =	shalt  }
0x4f: {  	_ =	shalt  }
0x50: {  	_ =	shalt  }
0x51: {  	_ =	shalt  }
0x52: {  	_ =	shalt  }
0x53: {  	_ =	shalt  }
0x54: {  	_ =	shalt  }
0x55: {  	_ =	shalt  }
0x56: {  	_ =	shalt  }
0x57: {  	_ =	shalt  }
0x58: {  	_ =	shalt  }
0x59: {  	_ =	shalt  }
0x5a: {  	_ =	shalt  }
0x5b: {  	_ =	shalt  }
0x5c: {  	_ =	shalt  }
0x5d: {  	_ =	shalt  }
0x5e: {  	_ =	shalt  }
0x5f: {  	_ =	shalt  }
0x60: {  	_ =	shalt  }
0x61: {  	_ =	shalt  }
0x62: {  	_ =	shalt  }
0x63: {  	_ =	shalt  }
0x64: {  	_ =	shalt  }
0x65: {  	_ =	shalt  }
0x66: {  	_ =	shalt  }
0x67: {  	_ =	shalt  }
0x68: {  	_ =	shalt  }
0x69: {  	_ =	shalt  }
0x6a: {  	_ =	shalt  }
0x6b: {  	_ =	shalt  }
0x6c: {  	_ =	shalt  }
0x6d: {  	_ =	shalt  }
0x6e: {  	_ =	shalt  }
0x6f: {  	_ =	shalt  }
0x70: {  	_ =	shalt  }
0x71: {  	_ =	shalt  }
0x72: {  	_ =	shalt  }
0x73: {  	_ =	shalt  }
0x74: {  	_ =	shalt  }
0x75: {  	_ =	shalt  }
0x76: {  	_ =	shalt  }
0x77: {  	_ =	shalt  }
0x78: {  	_ =	shalt  }
0x79: {  	_ =	shalt  }
0x7a: {  	_ =	shalt  }
0x7b: {  	_ =	shalt  }
0x7c: {  	_ =	shalt  }
0x7d: {  	_ =	shalt  }
0x7e: {  	_ =	shalt  }
0x7f: {  	_ =	shalt  }
0x80: {  	_ =	shalt  }
0x81: {  	_ =	shalt  }
0x82: {  	_ =	shalt  }
0x83: {  	_ =	shalt  }
0x84: {  	_ =	shalt  }
0x85: {  	_ =	shalt  }
0x86: {  	_ =	shalt  }
0x87: {  	_ =	shalt  }
.Lfunc_end0:
.L_simem_size_0:
called_computation.2_lowered:
.L_overlay_start_0:
0x88: {  	s2 =	sld [smem:$0x3FD9]  }
0x89: {  	s3 =	sld [smem:$0x3FFE];
	_ =	sdelay $0x1  }
0x8a: {  	s1 =	srdreg.scid  }
0x8b: {  	s0 =	sand.u32 $0x1, s1  }
0x8c: {  	s16 =	sshll.u32 s0, $0xA;
	s2 =	sadd.s32 s3, s2  }
0x8d: {  	s2 =	sadd.s32 s2, s16  }
0x8e: {  	[smem:$0x3FB6] =	sst s2  }
0x8f: {  	_ = 	snop  }
0x90: {  	(tm) =	ssettm $0x1  }
0x91: {  	s17 =	sld [smem:$0x3FFB];
	_ =	sdelay $0x3  }
0x92: {  	_ =	strace s17  }
0x93: {  	s2 =	sld [smem:$0x3FFC];
	_ =	sdelay $0x3  }
0x94: {  	_ =	strace s2  }
0x95: {  	s2 =	sld [smem:$0x3FFD];
	_ =	sdelay $0x3  }
0x96: {  	_ =	strace s2  }
0x97: {  	_ =	strace $0x8FFFFFFF  }
0x98: {  	s18 =	sld [smem:$0x3FDB];
	_ =	sdelay $0x1  }
0x99: {  	s19 =	simm.s32 $_scs_section_size  }
0x9a: {  	s4 =	simm.s32 $_size__tile_overlayer_lowered;
	s5 =	simm.s32 $_tile_overlayer_lowered  }
0x9b: {  	s22 =	simm.s32 $0x1BFF;
	s21 =	sshll.u32 s5, $0x1;
	s2 =	sadd.s32 s19, s18  }
0x9c: {  	s6 =	simm.s32 $0x0;
	s20 =	sshll.u32 s4, $0x1;
	s4 =	sadd.s32 s21, s2  }
0x9d: {  	[timem:s6], [sflag:s22] =	dma.local [hbm:s4], s20  }
0x9e: {  	_ =	swait.ge [sflag:s22], s20  }
0x9f: {  	s3 =	ssub.s32 $0x0, s20;
	[sflag:s22] =	ssyncset.done $0x0  }
0xa0: {  	[sflag:s22] =	ssyncadd.s32 s3;
	_ =	sdelay $0x1  }
0xa1: {  	s23 =	simm.s32 $0x1B8B  }
0xa2: {  	_ =	swait.ge [sflag:s23], $0x1  }
0xa3: {  	[sflag:s23] =	ssyncset.done $0x0  }
0xa4: {  	s25 =	simm.s32 $0x1B8E;
	s24 =	sld [smem:$0x3FFE];
	[sflag:s23] =	ssyncadd.s32 $0xFFFFFFFF  }
0xa5: {  	s26 =	simm.s32 $execute0_lowered;
	[smem:$0x3FD2] =	sst s25  }
0xa6: {  	s4 =	sshll.u32 s26, $0x1;
	_ =	strace $0x8000004C;
	[dreg:$0x1] =	wrdreg $0xFFFFFFFF  }
0xa7: {  	s28 =	simm.s32 $_size_execute0_lowered;
	s2 =	sadd.s32 s2, s4;
	[dreg:$0x0] =	wrdreg $0x0  }
0xa8: {  	s4 =	sshll.u32 s28, $0x1;
	[dreg:$0x2] =	wrdreg s2  }
0xa9: {  	[dreg:$0x3] =	wrdreg s4  }
0xaa: {  	[dreg:$0x4] =	wrdreg $0xC0  }
0xab: {  	_ =	task [dreg:s6], $0x5FFFF  }
0xac: {  	[dreg:$0x1] =	wrdreg $0xFFFFFFFF  }
0xad: {  	[dreg:$0x0] =	wrdreg $0x60  }
0xae: {  	[dreg:$0x2] =	wrdreg s24  }
0xaf: {  	[dreg:$0x3] =	wrdreg $0x0  }
0xb0: {  	[dreg:$0x4] =	wrdreg $0x9  }
0xb1: {  	_ =	task.clear_ibuf [dreg:s6], $0x5FFFF;
	_ =	strace $0x9000004C  }
0xb2: {  	s29 =	simm.s32 $0x9;
	_ =	strace $0x8000004E  }
0xb3: {  	_ =	swait.ge [sflag:s29], $0x1  }
0xb4: {  	[sflag:s29] =	ssyncadd.s32 $0xFFFFFFFF  }
0xb5: {  	_ =	strace $0x9000004E  }
0xb6: {  	_ =	sfence  }
0xb7: {  	s30 =	sld [smem:$0x0];
	_ =	sdelay $0x2  }
0xb8: {  	s31 =	sshll.u32 s1, $0xD;
	s1 =	sshrl.u32 s1, $0x2  }
0xb9: {  	s3 =	sand.u32 $0x4000, s31;
	s1 =	sadd.s32 s1, s30  }
0xba: {  	s0 =	sor.u32 s3, s0;
	s1 =	sshll.u32 s1, $0x11  }
0xbb: {  	s0 =	sor.u32 s1, s0  }
0xbc: {  	s0 =	sadd.s32 $0x8F2B, s0  }
0xbd: {  	[sflag:s0] =	ssyncadd.remote.s32 $0x1  }
0xbe: {  	_ =	sfence.sel $0xFFFF  }
0xbf: {  	[dreg:$0x0] =	wrdreg $0xFFFFFFFF;
	(pc) =	sbr.abs _section_cstart, $3  }
0xc0: {  	[dreg:$0x1] =	wrdreg $0xFFFFFFFF  }
0xc1: {  	_ =	task.clear_ibuf [dreg:s6], $0x2FFFF;
	_ =	strace $0x9FFFFFFF  }
0xc2: {  	(tm) =	ssettm $0x7FFFFFFF  }
0xc3: {  	_ =	shalt  }
tec
execute0_lowered:
.L_overlay_start_1:
0x0: {  	(tag) =	ssettag $0x1  }
0x1: {  	s8 =	rddreg [dreg:$0x0]  }
0x2: {  	s2 =	rddreg [dreg:$0x1]  }
0x3: {  	s0 =	rddreg [dreg:$0x2];
	s1 =	stileid.u32  }
0x4: {  	s4 =	srdreg.scid;
	s3 =	simm.s32 $0x0;
	s13 =	simm.s32 $0x36800  }
0x5: {  	s5 =	smul.u32 $0x13C00, s1;
	s6 =	sand.u32 $0x1, s4;
	[smem:$0x7FF] =	sst s3  }
0x6: {  	s26 =	sshll.u32 s1, $0x4;
	s29 =	smul.u32 $0x4F000, s1;
	s31 =	sshll.u32 s1, $0x6  }
0x7: {  	s7 =	smul.u32 $0x13C000, s6;
	_ =	strace $0x8000004D;
	s10 =	sadd.s32 s26, s8  }
0x8: {  	s9 =	ssub.s32 $0x2, s6;
	p0 =	seq.s32 s6, $0x1;
	s28 =	sshrl.u32 s5, $0x3  }
0x9: {  	s30 =	sshrl.u32 s9, $0x1;
	s13 =	simm.s32 @!p0 $0xF600;
	s5 =	sadd.s32 s5, s7  }
0xa: {  	s4 =	sadd.s32 s28, s8;
	s7 =	sshrl.u32 s29, $0x2;
	s9 =	ssub.s32 s9, s30  }
0xb: {  	s5 =	sshrl.u32 s5, $0x3;
	s12 =	sadd.s32 s7, s2;
	s4 =	sadd.s32 $0x5DA00, s4  }
0xc: {  	s7 =	smax.u32 s9, $0x1;
	s9 =	sadd.s32 $0x5600, s10;
	s10 =	sadd.s32 $0xA600, s10  }
0xd: {  	s11 =	sadd.s32 s5, s8;
	s5 =	sor.u32 $0x1C02, s31;
	s8 =	sadd.s32 s13, s8  }
0xe: {  	s6 =	sadd.s32 $0x85200, s11;
	s11 =	sshrl.u32 s12, $0x3;
	s12 =	simm.s32 $0x2  }
.LBB2_1:
0xf: {  	[spmem:s11], [sflag:s5] =	dma.local [hbm:s4], $0x2780  }
0x10: {  	_ =	swait.ge [sflag:s12], $0x2780  }
0x11: {  	p0 =	sgt.u32 s1, $0x4E1;
	[sflag:s12] =	ssyncset.done $0x0  }
0x12: {  	s13 =	sadd.s32 @!p0 $0x0, s10;
	s14 =	simm.s32 @!p0 $0x0;
	[sflag:s12] =	ssyncadd.s32 $0xFFFFD880  }
0x13: {  	s15 =	simm.s32 @!p0 $0x13C00;
	s16 =	simm.s32 @!p0 $0x3;
	[bflag:$0x0] =	sbarrier.arrive $0xFFFF  }
0x14: {  	[tilespmem:s15], [sflag:$0x3] =	stream.linear.gather @!p0 [hbm4b:s13+s14], $0x80, $0x38;
	[tilespmem:$0x17D00] =	vst v63  }
0x15: {  	_ =	swait.ge @!p0 [sflag:s16], $0x80  }
0x16: {  	[sflag:s16] =	ssyncset.done @!p0 $0x0  }
0x17: {  	s17 =	simm.s32 @!p0 $0x13C80;
	s13 =	sadd.s32 @!p0 $0x0, s9;
	[sflag:s16] =	ssyncadd.s32 @!p0 $0xFFFFFF80  }
0x18: {  	[tilespmem:s17], [sflag:$0x3] =	stream.linear.gather @!p0 [hbm4b:s13+s14], $0x80, $0x38;
	[tilespmem:$0x17D00] =	vst v63  }
0x19: {  	_ =	swait.ge @!p0 [sflag:s16], $0x80;
	p0 =	por p0, p0  }
0x1a: {  	[sflag:s16] =	ssyncset.done @!p0 $0x0;
	s13 =	simm.s32 @!p0 $0x80  }
0x1b: {  	s14 =	simm.s32 @!p0 $0x13D00;
	[sflag:s16] =	ssyncadd.s32 @!p0 $0xFFFFFF80;
	s16 =	simm.s32 @!p0 $0x1  }
0x1c: {  	[tilespmem:s14], [sflag:$0x1] =	stream.indirect.gather @!p0 [hbm4b:s8+s13], $0x80, s15, s13, $0xb8;
	[tilespmem:$0x17D00] =	vst v63  }
0x1d: {  	_ =	swait.ge @!p0 [sflag:s16], $0x4000  }
0x1e: {  	[sflag:s16] =	ssyncset.done @!p0 $0x0  }
0x1f: {  	[sflag:s16] =	ssyncadd.s32 @!p0 $0xFFFFC000  }
0x20: {  	[spmem:s2] =	stream.indirect.scatter.add.f32 @!p0 [tilespmem:s14], [sflag:$0x2], $0x80, s17, s13, $0xb8;
	[tilespmem:$0x17D00] =	vst v63  }
0x21: {  	s15 =	simm.s32 $0x200;
	s16 =	simm.s32 @!p0 $0x2;
	s14 =	sadd.s32 $0x10, s1  }
0x22: {  	s13 =	simm.s32 $0x100;
	p1 =	sgt.u32 s14, $0x4E1;
	_ =	swait.ge @!p0 [sflag:s16], $0x4000  }
.LBB2_2:
0x23: {  	s17 =	sadd.s32 @!p1 s13, s10;
	s18 =	simm.s32 @!p1 $0x0;
	[sflag:s16] =	ssyncset.done @!p0 $0x0  }
0x24: {  	s19 =	simm.s32 @!p1 $0x13C00;
	s20 =	simm.s32 @!p1 $0x3;
	[sflag:s16] =	ssyncadd.s32 @!p0 $0xFFFFC000  }
0x25: {  	[tilespmem:s19], [sflag:$0x3] =	stream.linear.gather @!p1 [hbm4b:s17+s18], $0x80, $0x38;
	[tilespmem:$0x17D00] =	vst v63  }
0x26: {  	s16 =	smov.u32 s15;
	s15 =	sadd.s32 $0x100, s15;
	_ =	swait.ge @!p1 [sflag:s20], $0x80  }
0x27: {  	s21 =	simm.s32 @!p1 $0x13C80;
	s17 =	sadd.s32 @!p1 s13, s9;
	[sflag:s20] =	ssyncset.done @!p1 $0x0  }
0x28: {  	p2 =	sne.s32 s15, $0x4F00;
	s13 =	smov.u32 s16;
	[sflag:s20] =	ssyncadd.s32 @!p1 $0xFFFFFF80  }
0x29: {  	[tilespmem:s21], [sflag:$0x3] =	stream.linear.gather @!p1 [hbm4b:s17+s18], $0x80, $0x38;
	[tilespmem:$0x17D00] =	vst v63  }
0x2a: {  	p0 =	por p1, p1;
	_ =	swait.ge @!p1 [sflag:s20], $0x80  }
0x2b: {  	s17 =	simm.s32 @!p0 $0x80;
	s18 =	simm.s32 @!p0 $0x13D00;
	[sflag:s20] =	ssyncset.done @!p0 $0x0  }
0x2c: {  	s16 =	simm.s32 @!p0 $0x1;
	[sflag:s20] =	ssyncadd.s32 @!p0 $0xFFFFFF80  }
0x2d: {  	[tilespmem:s18], [sflag:$0x1] =	stream.indirect.gather @!p0 [hbm4b:s8+s17], $0x80, s19, s17, $0xb8;
	[tilespmem:$0x17D00] =	vst v63  }
.Ltmp0:
0x2e: {  	_ =	swait.ge @!p0 [sflag:s16], $0x4000;
	(pc) =	sbr.rel @p2 .LBB2_2-.Ltmp0, $4  }
0x2f: {  	[sflag:s16] =	ssyncset.done @!p0 $0x0  }
0x30: {  	s14 =	sadd.s32 $0x10, s14;
	[sflag:s16] =	ssyncadd.s32 @!p0 $0xFFFFC000;
	s16 =	simm.s32 @!p0 $0x2  }
0x31: {  	[spmem:s2] =	stream.indirect.scatter.add.f32 @!p0 [tilespmem:s18], [sflag:$0x2], $0x80, s21, s17, $0xb8;
	[tilespmem:$0x17D00] =	vst v63  }
0x32: {  	p1 =	sgt.u32 s14, $0x4E1;
	_ =	swait.ge @!p0 [sflag:s16], $0x4000  }
0x33: {  	s14 =	sadd.s32 @!p1 s13, s10;
	s15 =	simm.s32 @!p1 $0x0;
	[sflag:s16] =	ssyncset.done @!p0 $0x0  }
0x34: {  	s17 =	simm.s32 @!p1 $0x13C00;
	s18 =	simm.s32 @!p1 $0x3;
	[sflag:s16] =	ssyncadd.s32 @!p0 $0xFFFFC000  }
0x35: {  	[tilespmem:s17], [sflag:$0x3] =	stream.linear.gather @!p1 [hbm4b:s14+s15], $0x80, $0x38;
	[tilespmem:$0x17D00] =	vst v63  }
0x36: {  	_ =	swait.ge @!p1 [sflag:s18], $0x80  }
0x37: {  	[sflag:s18] =	ssyncset.done @!p1 $0x0  }
0x38: {  	s13 =	sadd.s32 @!p1 s13, s9;
	s14 =	simm.s32 @!p1 $0x13C80;
	[sflag:s18] =	ssyncadd.s32 @!p1 $0xFFFFFF80  }
0x39: {  	[tilespmem:s14], [sflag:$0x3] =	stream.linear.gather @!p1 [hbm4b:s13+s15], $0x80, $0x38;
	[tilespmem:$0x17D00] =	vst v63  }
0x3a: {  	p0 =	por p1, p1;
	_ =	swait.ge @!p1 [sflag:s18], $0x80  }
0x3b: {  	s16 =	simm.s32 @!p0 $0x1;
	[sflag:s18] =	ssyncset.done @!p0 $0x0  }
0x3c: {  	s13 =	simm.s32 @!p0 $0x80;
	s15 =	simm.s32 @!p0 $0x13D00;
	[sflag:s18] =	ssyncadd.s32 @!p0 $0xFFFFFF80  }
0x3d: {  	[tilespmem:s15], [sflag:$0x1] =	stream.indirect.gather @!p0 [hbm4b:s8+s13], $0x80, s17, s13, $0xb8;
	[tilespmem:$0x17D00] =	vst v63  }
0x3e: {  	_ =	swait.ge @!p0 [sflag:s16], $0x4000  }
0x3f: {  	[sflag:s16] =	ssyncset.done @!p0 $0x0  }
0x40: {  	[sflag:s16] =	ssyncadd.s32 @!p0 $0xFFFFC000;
	s16 =	simm.s32 @!p0 $0x2  }
0x41: {  	[spmem:s2] =	stream.indirect.scatter.add.f32 @!p0 [tilespmem:s15], [sflag:$0x2], $0x80, s14, s13, $0xb8;
	[tilespmem:$0x17D00] =	vst v63  }
0x42: {  	_ =	swait.ge @!p0 [sflag:s16], $0x4000  }
0x43: {  	s3 =	sadd.s32 $0x1, s3;
	[sflag:s16] =	ssyncset.done @!p0 $0x0  }
0x44: {  	[sflag:s16] =	ssyncadd.s32 @!p0 $0xFFFFC000;
	p0 =	sne.s32 s3, s7  }
.Ltmp1:
0x45: {  	[bflag:$0x0] =	sbarrier.arrive $0xFFFF;
	(pc) =	sbr.rel @p0 .LBB2_1-.Ltmp1, $4  }
0x46: {  	[hbm:s6], [sflag:s5] =	dma.local [spmem:s11], $0x2780  }
0x47: {  	_ =	swait.ge [sflag:s12], $0x2780  }
0x48: {  	[sflag:s12] =	ssyncset.done $0x0  }
0x49: {  	[sflag:s12] =	ssyncadd.s32 $0xFFFFD880  }
0x4a: {  	_ =	sfence.sel $0x180000  }
0x4b: {  	[bflag:$0x0] =	sbarrier.arrive $0xFFFF  }
0x4c: {  	p0 =	sne.s32 s1, $0x0;
	_ =	strace $0x9000004D  }
0x4d: {  	s0 =	sadd.s32 @!p0 $0x100000, s0;
	[bflag:$0x2] =	sbarrier.arrive $0xFFFF  }
0x4e: {  	[sflag:s0] =	ssyncadd.tile.s32 @!p0 $0x1;
	_ =	shalt  }
.Lfunc_end2:
_tile_overlayer_lowered:
.L_overlay_start_2:
0x4f: {  	(tag) =	ssettag $0x2  }
0x50: {  	s0 =	rddreg [dreg:$0x0];
	s2 =	stileid.u32  }
0x51: {  	s1 =	rddreg [dreg:$0x1];
	p0 =	sne.s32 s2, $0x0  }
0x52: {  	s3 =	rddreg [dreg:$0x2];
	[bflag:$0x3] =	sbarrier.arrive $0xFFFF;
	s2 =	simm.s32 @!p0 $0x1C02  }
0x53: {  	[timem:s3], [sflag:s2] =	dma.local @!p0 [hbm:s0], s1  }
0x54: {  	s0 =	simm.s32 @!p0 $0x2  }
0x55: {  	_ =	swait.ge @!p0 [sflag:s0], s1  }
0x56: {  	s1 =	ssub.s32 @!p0 $0x0, s1;
	[sflag:s0] =	ssyncset.done @!p0 $0x0  }
0x57: {  	[sflag:s0] =	ssyncadd.s32 @!p0 s1  }
0x58: {  	[bflag:$0x3] =	sbarrier.arrive $0xFFFF  }
0x59: {  	_ =	shalt  }

// kernel: kernel.22.cloned.1.call-start
scs
__scs_entry_jumppad:
0x0: {  	(pc) =	sbr.rel $0x88, $3  }
0x1: {  	(tag) =	ssettag $0x0;
	lr =	simm.s32 $0x1  }
0x2: {  	[smem:$0x3F8F] =	sst lr;
	_ =	strace $0xD0000000  }
0x3: {  	_ = 	snop  }
0x4: {  	_ = 	snop  }
0x5: {  	_ = 	snop  }
0x6: {  	_ = 	snop  }
0x7: {  	_ = 	snop  }
__scs_overlays_trampoline_lowered:
0x8: {  	[smem:$0x3F9E] =	sst s0  }
0x9: {  	[smem:$0x3F9F] =	sst s1  }
0xa: {  	[smem:$0x3FA0] =	sst s2  }
0xb: {  	[smem:$0x3FA1] =	sst s3  }
0xc: {  	[smem:$0x3FA2] =	sst s4  }
0xd: {  	[smem:$0x3FA3] =	sst s5  }
0xe: {  	[smem:$0x3FA4] =	sst s6  }
0xf: {  	[smem:$0x3FA5] =	sst s7  }
0x10: {  	[smem:$0x3FA6] =	sst s8  }
0x11: {  	[smem:$0x3FA7] =	sst s9;
	s0 =	simm.s32 @!p0 $0x0  }
0x12: {  	s1 =	sld [smem:$0x3F8D];
	s0 =	simm.s32 @p0 $0x1  }
0x13: {  	[smem:$0x3FA8] =	sst s0;
	s0 =	simm.s32 @!p1 $0x0  }
0x14: {  	s2 =	sld [smem:$0x3F8C];
	s0 =	simm.s32 @p1 $0x1  }
0x15: {  	[smem:$0x3FA9] =	sst s0;
	s0 =	simm.s32 @!p2 $0x0  }
0x16: {  	s3 =	sld [smem:$0x3FDB];
	s0 =	simm.s32 @p2 $0x1  }
0x17: {  	s4 =	simm.s32 $0x1BF5;
	[smem:$0x3FAB] =	sst s0  }
0x18: {  	s0 =	sld [smem:$0x3F8E];
	_ =	swait.ge [sflag:s4], $0x0  }
0x19: {  	s7 =	sld [smem:$0x3F8F]  }
0x1a: {  	s8 =	sadd.s32 $0xFFFFE003, lr  }
0x1b: {  	s9 =	sadd.s32 $0xFFFFFEF7, lr;
	s5 =	simm.s32 $0xFFFFFFFF;
	p2 =	slt.u32 s8, $0xFFFFF086  }
0x1c: {  	p1 =	slt.u32 s9, $0xF7A;
	s5 =	simm.s32 @!p2 $0x0  }
0x1d: {  	s5 =	simm.s32 @p1 $0x1;
	p0 =	seq.s32 s7, s2  }
0x1e: {  	s7 =	smul.u32 @!p0 $0xF7A, s2;
	p2 =	seq.s32 @!p0 s5, $0x0  }
0x1f: {  	s9 =	smul.u32 $0xF7A, s1;
	s8 =	simm.s32 @!p0 $0x1BF5;
	p2 =	por !p2, p0  }
0x20: {  	[sflag:s8] =	ssyncset.s32 @!p0 $0xFFFFF086;
	s6 =	sadd.s32 @!p0 s3, s7;
	s7 =	simm.s32 @!p0 $0x108  }
0x21: {  	s3 =	sadd.s32 s3, s9;
	s6 =	sadd.s32 @!p0 $0x88, s6;
	s7 =	simm.s32 @p2 $0x1082  }
0x22: {  	[simem:s7], [sflag:s8] =	dma.local @!p0 [hbm:s6], $0xF7A  }
0x23: {  	s9 =	sor.u32 $0xD0000000, s2;
	s6 =	simm.s32 $0x108;
	_ =	swait.ge @!p0 [sflag:s8], $0x0  }
0x24: {  	s3 =	sadd.s32 $0x88, s3;
	s6 =	simm.s32 @!p1 $0x1082;
	[sflag:s4] =	ssyncset.s32 $0xFFFFF086  }
0x25: {  	[simem:s6], [sflag:s4] =	dma.local [hbm:s3], $0xF7A  }
0x26: {  	[smem:$0x3F8F] =	sst s1;
	(tag) =	ssettag s2;
	_ =	strace s9  }
0x27: {  	s1 =	sld [smem:$0x3F9F]  }
0x28: {  	s2 =	sld [smem:$0x3FA0]  }
0x29: {  	s4 =	sld [smem:$0x3FA2]  }
0x2a: {  	p0 =	seq.s32 s5, $0x0;
	s5 =	sld [smem:$0x3FA3]  }
0x2b: {  	s6 =	sld [smem:$0x3FA4]  }
0x2c: {  	s7 =	sld [smem:$0x3FA5]  }
0x2d: {  	s3 =	simm.s32 $0x108;
	s8 =	sld [smem:$0x3FA6]  }
0x2e: {  	s3 =	simm.s32 @!p0 $0x1082;
	s9 =	sld [smem:$0x3FA7]  }
0x2f: {  	lr =	sadd.s32 s0, s3;
	s0 =	sld [smem:$0x3F9E]  }
0x30: {  	s3 =	sld [smem:$0x3FA1]  }
0x31: {  	[smem:$0x3FAA] =	sst s10  }
0x32: {  	s10 =	sld [smem:$0x3FA8];
	_ =	sdelay $0x3  }
0x33: {  	p0 =	seq.s32 s10, $0x1;
	s10 =	sld [smem:$0x3FAA];
	_ =	sdelay $0x3  }
0x34: {  	[smem:$0x3FAA] =	sst s10  }
0x35: {  	s10 =	sld [smem:$0x3FA9];
	_ =	sdelay $0x3  }
0x36: {  	p1 =	seq.s32 s10, $0x1;
	s10 =	sld [smem:$0x3FAA];
	_ =	sdelay $0x3  }
0x37: {  	[smem:$0x3FAA] =	sst s10  }
0x38: {  	s10 =	sld [smem:$0x3FAB]  }
0x39: {  	_ = 	snop;
	(pc) =	sbr.ind lr, $3  }
0x3a: {  	_ = 	snop  }
0x3b: {  	_ = 	snop  }
0x3c: {  	p2 =	seq.s32 s10, $0x1;
	s10 =	sld [smem:$0x3FAA]  }
0x3d: {  	_ =	shalt  }
0x3e: {  	_ =	shalt  }
0x3f: {  	_ =	shalt  }
0x40: {  	_ =	shalt  }
0x41: {  	_ =	shalt  }
0x42: {  	_ =	shalt  }
0x43: {  	_ =	shalt  }
0x44: {  	_ =	shalt  }
0x45: {  	_ =	shalt  }
0x46: {  	_ =	shalt  }
0x47: {  	_ =	shalt  }
0x48: {  	_ =	shalt  }
0x49: {  	_ =	shalt  }
0x4a: {  	_ =	shalt  }
0x4b: {  	_ =	shalt  }
0x4c: {  	_ =	shalt  }
0x4d: {  	_ =	shalt  }
0x4e: {  	_ =	shalt  }
0x4f: {  	_ =	shalt  }
0x50: {  	_ =	shalt  }
0x51: {  	_ =	shalt  }
0x52: {  	_ =	shalt  }
0x53: {  	_ =	shalt  }
0x54: {  	_ =	shalt  }
0x55: {  	_ =	shalt  }
0x56: {  	_ =	shalt  }
0x57: {  	_ =	shalt  }
0x58: {  	_ =	shalt  }
0x59: {  	_ =	shalt  }
0x5a: {  	_ =	shalt  }
0x5b: {  	_ =	shalt  }
0x5c: {  	_ =	shalt  }
0x5d: {  	_ =	shalt  }
0x5e: {  	_ =	shalt  }
0x5f: {  	_ =	shalt  }
0x60: {  	_ =	shalt  }
0x61: {  	_ =	shalt  }
0x62: {  	_ =	shalt  }
0x63: {  	_ =	shalt  }
0x64: {  	_ =	shalt  }
0x65: {  	_ =	shalt  }
0x66: {  	_ =	shalt  }
0x67: {  	_ =	shalt  }
0x68: {  	_ =	shalt  }
0x69: {  	_ =	shalt  }
0x6a: {  	_ =	shalt  }
0x6b: {  	_ =	shalt  }
0x6c: {  	_ =	shalt  }
0x6d: {  	_ =	shalt  }
0x6e: {  	_ =	shalt  }
0x6f: {  	_ =	shalt  }
0x70: {  	_ =	shalt  }
0x71: {  	_ =	shalt  }
0x72: {  	_ =	shalt  }
0x73: {  	_ =	shalt  }
0x74: {  	_ =	shalt  }
0x75: {  	_ =	shalt  }
0x76: {  	_ =	shalt  }
0x77: {  	_ =	shalt  }
0x78: {  	_ =	shalt  }
0x79: {  	_ =	shalt  }
0x7a: {  	_ =	shalt  }
0x7b: {  	_ =	shalt  }
0x7c: {  	_ =	shalt  }
0x7d: {  	_ =	shalt  }
0x7e: {  	_ =	shalt  }
0x7f: {  	_ =	shalt  }
0x80: {  	_ =	shalt  }
0x81: {  	_ =	shalt  }
0x82: {  	_ =	shalt  }
0x83: {  	_ =	shalt  }
0x84: {  	_ =	shalt  }
0x85: {  	_ =	shalt  }
0x86: {  	_ =	shalt  }
0x87: {  	_ =	shalt  }
.Lfunc_end0:
.L_simem_size_0:
called_computation.3_lowered:
.L_overlay_start_0:
0x88: {  	s2 =	sld [smem:$0x3FD9]  }
0x89: {  	s3 =	sld [smem:$0x3FFE];
	_ =	sdelay $0x1  }
0x8a: {  	s1 =	srdreg.scid  }
0x8b: {  	s0 =	sand.u32 $0x1, s1  }
0x8c: {  	s16 =	sshll.u32 s0, $0xA;
	s2 =	sadd.s32 s3, s2  }
0x8d: {  	s2 =	sadd.s32 s2, s16  }
0x8e: {  	[smem:$0x3FB6] =	sst s2  }
0x8f: {  	_ = 	snop  }
0x90: {  	(tm) =	ssettm $0x1  }
0x91: {  	s17 =	sld [smem:$0x3FFB];
	_ =	sdelay $0x3  }
0x92: {  	_ =	strace s17  }
0x93: {  	s2 =	sld [smem:$0x3FFC];
	_ =	sdelay $0x3  }
0x94: {  	_ =	strace s2  }
0x95: {  	s2 =	sld [smem:$0x3FFD];
	_ =	sdelay $0x3  }
0x96: {  	_ =	strace s2  }
0x97: {  	_ =	strace $0x8FFFFFFF  }
0x98: {  	s18 =	sld [smem:$0x3FDB];
	_ =	sdelay $0x1  }
0x99: {  	s19 =	simm.s32 $_scs_section_size  }
0x9a: {  	s4 =	simm.s32 $_size__tile_overlayer_lowered;
	s5 =	simm.s32 $_tile_overlayer_lowered  }
0x9b: {  	s22 =	simm.s32 $0x1BFF;
	s21 =	sshll.u32 s5, $0x1;
	s2 =	sadd.s32 s19, s18  }
0x9c: {  	s6 =	simm.s32 $0x0;
	s20 =	sshll.u32 s4, $0x1;
	s4 =	sadd.s32 s21, s2  }
0x9d: {  	[timem:s6], [sflag:s22] =	dma.local [hbm:s4], s20  }
0x9e: {  	_ =	swait.ge [sflag:s22], s20  }
0x9f: {  	s3 =	ssub.s32 $0x0, s20;
	[sflag:s22] =	ssyncset.done $0x0  }
0xa0: {  	[sflag:s22] =	ssyncadd.s32 s3;
	_ =	sdelay $0x1  }
0xa1: {  	s23 =	simm.s32 $0x1B8B  }
0xa2: {  	_ =	swait.ge [sflag:s23], $0x1  }
0xa3: {  	[sflag:s23] =	ssyncset.done $0x0  }
0xa4: {  	s25 =	simm.s32 $0x1B8E;
	s24 =	sld [smem:$0x3FFE];
	[sflag:s23] =	ssyncadd.s32 $0xFFFFFFFF  }
0xa5: {  	s26 =	simm.s32 $execute0_lowered;
	[smem:$0x3FD2] =	sst s25  }
0xa6: {  	s4 =	sshll.u32 s26, $0x1;
	_ =	strace $0x8000004F;
	[dreg:$0x1] =	wrdreg $0xFFFFFFFF  }
0xa7: {  	s28 =	simm.s32 $_size_execute0_lowered;
	s2 =	sadd.s32 s2, s4;
	[dreg:$0x0] =	wrdreg $0x0  }
0xa8: {  	s4 =	sshll.u32 s28, $0x1;
	[dreg:$0x2] =	wrdreg s2  }
0xa9: {  	[dreg:$0x3] =	wrdreg s4  }
0xaa: {  	[dreg:$0x4] =	wrdreg $0xC0  }
0xab: {  	_ =	task [dreg:s6], $0x5FFFF  }
0xac: {  	[dreg:$0x1] =	wrdreg $0xFFFFFFFF  }
0xad: {  	[dreg:$0x0] =	wrdreg $0x60  }
0xae: {  	[dreg:$0x2] =	wrdreg s24  }
0xaf: {  	[dreg:$0x3] =	wrdreg $0x0  }
0xb0: {  	[dreg:$0x4] =	wrdreg $0x9  }
0xb1: {  	_ =	task.clear_ibuf [dreg:s6], $0x5FFFF;
	_ =	strace $0x9000004F  }
0xb2: {  	s29 =	simm.s32 $0x9;
	_ =	strace $0x80000051  }
0xb3: {  	_ =	swait.ge [sflag:s29], $0x1  }
0xb4: {  	[sflag:s29] =	ssyncadd.s32 $0xFFFFFFFF  }
0xb5: {  	_ =	strace $0x90000051  }
0xb6: {  	_ =	sfence  }
0xb7: {  	s30 =	sld [smem:$0x0];
	_ =	sdelay $0x2  }
0xb8: {  	s31 =	sshll.u32 s1, $0xD;
	s1 =	sshrl.u32 s1, $0x2  }
0xb9: {  	s3 =	sand.u32 $0x4000, s31;
	s1 =	sadd.s32 s1, s30  }
0xba: {  	s0 =	sor.u32 s3, s0;
	s1 =	sshll.u32 s1, $0x11  }
0xbb: {  	s0 =	sor.u32 s1, s0  }
0xbc: {  	s0 =	sadd.s32 $0x8F2B, s0  }
0xbd: {  	[sflag:s0] =	ssyncadd.remote.s32 $0x1  }
0xbe: {  	_ =	sfence.sel $0xFFFF  }
0xbf: {  	[dreg:$0x0] =	wrdreg $0xFFFFFFFF;
	(pc) =	sbr.abs _section_cstart, $3  }
0xc0: {  	[dreg:$0x1] =	wrdreg $0xFFFFFFFF  }
0xc1: {  	_ =	task.clear_ibuf [dreg:s6], $0x2FFFF;
	_ =	strace $0x9FFFFFFF  }
0xc2: {  	(tm) =	ssettm $0x7FFFFFFF  }
0xc3: {  	_ =	shalt  }
tec
execute0_lowered:
.L_overlay_start_1:
0x0: {  	(tag) =	ssettag $0x1  }
0x1: {  	s8 =	rddreg [dreg:$0x0]  }
0x2: {  	s2 =	rddreg [dreg:$0x1]  }
0x3: {  	s0 =	rddreg [dreg:$0x2];
	s1 =	stileid.u32  }
0x4: {  	s4 =	srdreg.scid;
	s3 =	simm.s32 $0x0;
	s13 =	simm.s32 $0x36800  }
0x5: {  	s5 =	smul.u32 $0x13C00, s1;
	s6 =	sand.u32 $0x1, s4;
	[smem:$0x7FF] =	sst s3  }
0x6: {  	s26 =	sshll.u32 s1, $0x4;
	s29 =	smul.u32 $0x4F000, s1;
	s31 =	sshll.u32 s1, $0x6  }
0x7: {  	s7 =	smul.u32 $0x13C000, s6;
	_ =	strace $0x80000050;
	s10 =	sadd.s32 s26, s8  }
0x8: {  	s9 =	ssub.s32 $0x2, s6;
	p0 =	seq.s32 s6, $0x1;
	s28 =	sshrl.u32 s5, $0x3  }
0x9: {  	s30 =	sshrl.u32 s9, $0x1;
	s13 =	simm.s32 @!p0 $0xF600;
	s5 =	sadd.s32 s5, s7  }
0xa: {  	s4 =	sadd.s32 s28, s8;
	s7 =	sshrl.u32 s29, $0x2;
	s9 =	ssub.s32 s9, s30  }
0xb: {  	s5 =	sshrl.u32 s5, $0x3;
	s12 =	sadd.s32 s7, s2;
	s4 =	sadd.s32 $0x5DA00, s4  }
0xc: {  	s7 =	smax.u32 s9, $0x1;
	s9 =	sadd.s32 $0x5600, s10;
	s10 =	sadd.s32 $0xA600, s10  }
0xd: {  	s11 =	sadd.s32 s5, s8;
	s5 =	sor.u32 $0x1C02, s31;
	s8 =	sadd.s32 s13, s8  }
0xe: {  	s6 =	sadd.s32 $0x85200, s11;
	s11 =	sshrl.u32 s12, $0x3;
	s12 =	simm.s32 $0x2  }
.LBB2_1:
0xf: {  	[spmem:s11], [sflag:s5] =	dma.local [hbm:s4], $0x2780  }
0x10: {  	_ =	swait.ge [sflag:s12], $0x2780  }
0x11: {  	p0 =	sgt.u32 s1, $0x4E1;
	[sflag:s12] =	ssyncset.done $0x0  }
0x12: {  	s13 =	sadd.s32 @!p0 $0x0, s10;
	s14 =	simm.s32 @!p0 $0x0;
	[sflag:s12] =	ssyncadd.s32 $0xFFFFD880  }
0x13: {  	s15 =	simm.s32 @!p0 $0x13C00;
	s16 =	simm.s32 @!p0 $0x3;
	[bflag:$0x0] =	sbarrier.arrive $0xFFFF  }
0x14: {  	[tilespmem:s15], [sflag:$0x3] =	stream.linear.gather @!p0 [hbm4b:s13+s14], $0x80, $0x38;
	[tilespmem:$0x17D00] =	vst v63  }
0x15: {  	_ =	swait.ge @!p0 [sflag:s16], $0x80  }
0x16: {  	[sflag:s16] =	ssyncset.done @!p0 $0x0  }
0x17: {  	s17 =	simm.s32 @!p0 $0x13C80;
	s13 =	sadd.s32 @!p0 $0x0, s9;
	[sflag:s16] =	ssyncadd.s32 @!p0 $0xFFFFFF80  }
0x18: {  	[tilespmem:s17], [sflag:$0x3] =	stream.linear.gather @!p0 [hbm4b:s13+s14], $0x80, $0x38;
	[tilespmem:$0x17D00] =	vst v63  }
0x19: {  	_ =	swait.ge @!p0 [sflag:s16], $0x80;
	p0 =	por p0, p0  }
0x1a: {  	[sflag:s16] =	ssyncset.done @!p0 $0x0;
	s13 =	simm.s32 @!p0 $0x80  }
0x1b: {  	s14 =	simm.s32 @!p0 $0x13D00;
	[sflag:s16] =	ssyncadd.s32 @!p0 $0xFFFFFF80;
	s16 =	simm.s32 @!p0 $0x1  }
0x1c: {  	[tilespmem:s14], [sflag:$0x1] =	stream.indirect.gather @!p0 [hbm4b:s8+s13], $0x80, s15, s13, $0xb8;
	[tilespmem:$0x17D00] =	vst v63  }
0x1d: {  	_ =	swait.ge @!p0 [sflag:s16], $0x4000  }
0x1e: {  	[sflag:s16] =	ssyncset.done @!p0 $0x0  }
0x1f: {  	[sflag:s16] =	ssyncadd.s32 @!p0 $0xFFFFC000  }
0x20: {  	[spmem:s2] =	stream.indirect.scatter.add.f32 @!p0 [tilespmem:s14], [sflag:$0x2], $0x80, s17, s13, $0xb8;
	[tilespmem:$0x17D00] =	vst v63  }
0x21: {  	s15 =	simm.s32 $0x200;
	s16 =	simm.s32 @!p0 $0x2;
	s14 =	sadd.s32 $0x10, s1  }
0x22: {  	s13 =	simm.s32 $0x100;
	p1 =	sgt.u32 s14, $0x4E1;
	_ =	swait.ge @!p0 [sflag:s16], $0x4000  }
.LBB2_2:
0x23: {  	s17 =	sadd.s32 @!p1 s13, s10;
	s18 =	simm.s32 @!p1 $0x0;
	[sflag:s16] =	ssyncset.done @!p0 $0x0  }
0x24: {  	s19 =	simm.s32 @!p1 $0x13C00;
	s20 =	simm.s32 @!p1 $0x3;
	[sflag:s16] =	ssyncadd.s32 @!p0 $0xFFFFC000  }
0x25: {  	[tilespmem:s19], [sflag:$0x3] =	stream.linear.gather @!p1 [hbm4b:s17+s18], $0x80, $0x38;
	[tilespmem:$0x17D00] =	vst v63  }
0x26: {  	s16 =	smov.u32 s15;
	s15 =	sadd.s32 $0x100, s15;
	_ =	swait.ge @!p1 [sflag:s20], $0x80  }
0x27: {  	s21 =	simm.s32 @!p1 $0x13C80;
	s17 =	sadd.s32 @!p1 s13, s9;
	[sflag:s20] =	ssyncset.done @!p1 $0x0  }
0x28: {  	p2 =	sne.s32 s15, $0x4F00;
	s13 =	smov.u32 s16;
	[sflag:s20] =	ssyncadd.s32 @!p1 $0xFFFFFF80  }
0x29: {  	[tilespmem:s21], [sflag:$0x3] =	stream.linear.gather @!p1 [hbm4b:s17+s18], $0x80, $0x38;
	[tilespmem:$0x17D00] =	vst v63  }
0x2a: {  	p0 =	por p1, p1;
	_ =	swait.ge @!p1 [sflag:s20], $0x80  }
0x2b: {  	s17 =	simm.s32 @!p0 $0x80;
	s18 =	simm.s32 @!p0 $0x13D00;
	[sflag:s20] =	ssyncset.done @!p0 $0x0  }
0x2c: {  	s16 =	simm.s32 @!p0 $0x1;
	[sflag:s20] =	ssyncadd.s32 @!p0 $0xFFFFFF80  }
0x2d: {  	[tilespmem:s18], [sflag:$0x1] =	stream.indirect.gather @!p0 [hbm4b:s8+s17], $0x80, s19, s17, $0xb8;
	[tilespmem:$0x17D00] =	vst v63  }
.Ltmp0:
0x2e: {  	_ =	swait.ge @!p0 [sflag:s16], $0x4000;
	(pc) =	sbr.rel @p2 .LBB2_2-.Ltmp0, $4  }
0x2f: {  	[sflag:s16] =	ssyncset.done @!p0 $0x0  }
0x30: {  	s14 =	sadd.s32 $0x10, s14;
	[sflag:s16] =	ssyncadd.s32 @!p0 $0xFFFFC000;
	s16 =	simm.s32 @!p0 $0x2  }
0x31: {  	[spmem:s2] =	stream.indirect.scatter.add.f32 @!p0 [tilespmem:s18], [sflag:$0x2], $0x80, s21, s17, $0xb8;
	[tilespmem:$0x17D00] =	vst v63  }
0x32: {  	p1 =	sgt.u32 s14, $0x4E1;
	_ =	swait.ge @!p0 [sflag:s16], $0x4000  }
0x33: {  	s14 =	sadd.s32 @!p1 s13, s10;
	s15 =	simm.s32 @!p1 $0x0;
	[sflag:s16] =	ssyncset.done @!p0 $0x0  }
0x34: {  	s17 =	simm.s32 @!p1 $0x13C00;
	s18 =	simm.s32 @!p1 $0x3;
	[sflag:s16] =	ssyncadd.s32 @!p0 $0xFFFFC000  }
0x35: {  	[tilespmem:s17], [sflag:$0x3] =	stream.linear.gather @!p1 [hbm4b:s14+s15], $0x80, $0x38;
	[tilespmem:$0x17D00] =	vst v63  }
0x36: {  	_ =	swait.ge @!p1 [sflag:s18], $0x80  }
0x37: {  	[sflag:s18] =	ssyncset.done @!p1 $0x0  }
0x38: {  	s13 =	sadd.s32 @!p1 s13, s9;
	s14 =	simm.s32 @!p1 $0x13C80;
	[sflag:s18] =	ssyncadd.s32 @!p1 $0xFFFFFF80  }
0x39: {  	[tilespmem:s14], [sflag:$0x3] =	stream.linear.gather @!p1 [hbm4b:s13+s15], $0x80, $0x38;
	[tilespmem:$0x17D00] =	vst v63  }
0x3a: {  	p0 =	por p1, p1;
	_ =	swait.ge @!p1 [sflag:s18], $0x80  }
0x3b: {  	s16 =	simm.s32 @!p0 $0x1;
	[sflag:s18] =	ssyncset.done @!p0 $0x0  }
0x3c: {  	s13 =	simm.s32 @!p0 $0x80;
	s15 =	simm.s32 @!p0 $0x13D00;
	[sflag:s18] =	ssyncadd.s32 @!p0 $0xFFFFFF80  }
0x3d: {  	[tilespmem:s15], [sflag:$0x1] =	stream.indirect.gather @!p0 [hbm4b:s8+s13], $0x80, s17, s13, $0xb8;
	[tilespmem:$0x17D00] =	vst v63  }
0x3e: {  	_ =	swait.ge @!p0 [sflag:s16], $0x4000  }
0x3f: {  	[sflag:s16] =	ssyncset.done @!p0 $0x0  }
0x40: {  	[sflag:s16] =	ssyncadd.s32 @!p0 $0xFFFFC000;
	s16 =	simm.s32 @!p0 $0x2  }
0x41: {  	[spmem:s2] =	stream.indirect.scatter.add.f32 @!p0 [tilespmem:s15], [sflag:$0x2], $0x80, s14, s13, $0xb8;
	[tilespmem:$0x17D00] =	vst v63  }
0x42: {  	_ =	swait.ge @!p0 [sflag:s16], $0x4000  }
0x43: {  	s3 =	sadd.s32 $0x1, s3;
	[sflag:s16] =	ssyncset.done @!p0 $0x0  }
0x44: {  	[sflag:s16] =	ssyncadd.s32 @!p0 $0xFFFFC000;
	p0 =	sne.s32 s3, s7  }
.Ltmp1:
0x45: {  	[bflag:$0x0] =	sbarrier.arrive $0xFFFF;
	(pc) =	sbr.rel @p0 .LBB2_1-.Ltmp1, $4  }
0x46: {  	[hbm:s6], [sflag:s5] =	dma.local [spmem:s11], $0x2780  }
0x47: {  	_ =	swait.ge [sflag:s12], $0x2780  }
0x48: {  	[sflag:s12] =	ssyncset.done $0x0  }
0x49: {  	[sflag:s12] =	ssyncadd.s32 $0xFFFFD880  }
0x4a: {  	_ =	sfence.sel $0x180000  }
0x4b: {  	[bflag:$0x0] =	sbarrier.arrive $0xFFFF  }
0x4c: {  	p0 =	sne.s32 s1, $0x0;
	_ =	strace $0x90000050  }
0x4d: {  	s0 =	sadd.s32 @!p0 $0x100000, s0;
	[bflag:$0x2] =	sbarrier.arrive $0xFFFF  }
0x4e: {  	[sflag:s0] =	ssyncadd.tile.s32 @!p0 $0x1;
	_ =	shalt  }
.Lfunc_end2:
_tile_overlayer_lowered:
.L_overlay_start_2:
0x4f: {  	(tag) =	ssettag $0x2  }
0x50: {  	s0 =	rddreg [dreg:$0x0];
	s2 =	stileid.u32  }
0x51: {  	s1 =	rddreg [dreg:$0x1];
	p0 =	sne.s32 s2, $0x0  }
0x52: {  	s3 =	rddreg [dreg:$0x2];
	[bflag:$0x3] =	sbarrier.arrive $0xFFFF;
	s2 =	simm.s32 @!p0 $0x1C02  }
0x53: {  	[timem:s3], [sflag:s2] =	dma.local @!p0 [hbm:s0], s1  }
0x54: {  	s0 =	simm.s32 @!p0 $0x2  }
0x55: {  	_ =	swait.ge @!p0 [sflag:s0], s1  }
0x56: {  	s1 =	ssub.s32 @!p0 $0x0, s1;
	[sflag:s0] =	ssyncset.done @!p0 $0x0  }
0x57: {  	[sflag:s0] =	ssyncadd.s32 @!p0 s1  }
0x58: {  	[bflag:$0x3] =	sbarrier.arrive $0xFFFF  }
0x59: {  	_ =	shalt  }

// kernel: kernel.25.cloned.1.call-start
scs
__scs_entry_jumppad:
0x0: {  	(pc) =	sbr.rel $0x88, $3  }
0x1: {  	(tag) =	ssettag $0x0;
	lr =	simm.s32 $0x1  }
0x2: {  	[smem:$0x3F8F] =	sst lr;
	_ =	strace $0xD0000000  }
0x3: {  	_ = 	snop  }
0x4: {  	_ = 	snop  }
0x5: {  	_ = 	snop  }
0x6: {  	_ = 	snop  }
0x7: {  	_ = 	snop  }
__scs_overlays_trampoline_lowered:
0x8: {  	[smem:$0x3F9E] =	sst s0  }
0x9: {  	[smem:$0x3F9F] =	sst s1  }
0xa: {  	[smem:$0x3FA0] =	sst s2  }
0xb: {  	[smem:$0x3FA1] =	sst s3  }
0xc: {  	[smem:$0x3FA2] =	sst s4  }
0xd: {  	[smem:$0x3FA3] =	sst s5  }
0xe: {  	[smem:$0x3FA4] =	sst s6  }
0xf: {  	[smem:$0x3FA5] =	sst s7  }
0x10: {  	[smem:$0x3FA6] =	sst s8  }
0x11: {  	[smem:$0x3FA7] =	sst s9;
	s0 =	simm.s32 @!p0 $0x0  }
0x12: {  	s1 =	sld [smem:$0x3F8D];
	s0 =	simm.s32 @p0 $0x1  }
0x13: {  	[smem:$0x3FA8] =	sst s0;
	s0 =	simm.s32 @!p1 $0x0  }
0x14: {  	s2 =	sld [smem:$0x3F8C];
	s0 =	simm.s32 @p1 $0x1  }
0x15: {  	[smem:$0x3FA9] =	sst s0;
	s0 =	simm.s32 @!p2 $0x0  }
0x16: {  	s3 =	sld [smem:$0x3FDB];
	s0 =	simm.s32 @p2 $0x1  }
0x17: {  	s4 =	simm.s32 $0x1BF5;
	[smem:$0x3FAB] =	sst s0  }
0x18: {  	s0 =	sld [smem:$0x3F8E];
	_ =	swait.ge [sflag:s4], $0x0  }
0x19: {  	s7 =	sld [smem:$0x3F8F]  }
0x1a: {  	s8 =	sadd.s32 $0xFFFFE003, lr  }
0x1b: {  	s9 =	sadd.s32 $0xFFFFFEF7, lr;
	s5 =	simm.s32 $0xFFFFFFFF;
	p2 =	slt.u32 s8, $0xFFFFF086  }
0x1c: {  	p1 =	slt.u32 s9, $0xF7A;
	s5 =	simm.s32 @!p2 $0x0  }
0x1d: {  	s5 =	simm.s32 @p1 $0x1;
	p0 =	seq.s32 s7, s2  }
0x1e: {  	s7 =	smul.u32 @!p0 $0xF7A, s2;
	p2 =	seq.s32 @!p0 s5, $0x0  }
0x1f: {  	s9 =	smul.u32 $0xF7A, s1;
	s8 =	simm.s32 @!p0 $0x1BF5;
	p2 =	por !p2, p0  }
0x20: {  	[sflag:s8] =	ssyncset.s32 @!p0 $0xFFFFF086;
	s6 =	sadd.s32 @!p0 s3, s7;
	s7 =	simm.s32 @!p0 $0x108  }
0x21: {  	s3 =	sadd.s32 s3, s9;
	s6 =	sadd.s32 @!p0 $0x88, s6;
	s7 =	simm.s32 @p2 $0x1082  }
0x22: {  	[simem:s7], [sflag:s8] =	dma.local @!p0 [hbm:s6], $0xF7A  }
0x23: {  	s9 =	sor.u32 $0xD0000000, s2;
	s6 =	simm.s32 $0x108;
	_ =	swait.ge @!p0 [sflag:s8], $0x0  }
0x24: {  	s3 =	sadd.s32 $0x88, s3;
	s6 =	simm.s32 @!p1 $0x1082;
	[sflag:s4] =	ssyncset.s32 $0xFFFFF086  }
0x25: {  	[simem:s6], [sflag:s4] =	dma.local [hbm:s3], $0xF7A  }
0x26: {  	[smem:$0x3F8F] =	sst s1;
	(tag) =	ssettag s2;
	_ =	strace s9  }
0x27: {  	s1 =	sld [smem:$0x3F9F]  }
0x28: {  	s2 =	sld [smem:$0x3FA0]  }
0x29: {  	s4 =	sld [smem:$0x3FA2]  }
0x2a: {  	p0 =	seq.s32 s5, $0x0;
	s5 =	sld [smem:$0x3FA3]  }
0x2b: {  	s6 =	sld [smem:$0x3FA4]  }
0x2c: {  	s7 =	sld [smem:$0x3FA5]  }
0x2d: {  	s3 =	simm.s32 $0x108;
	s8 =	sld [smem:$0x3FA6]  }
0x2e: {  	s3 =	simm.s32 @!p0 $0x1082;
	s9 =	sld [smem:$0x3FA7]  }
0x2f: {  	lr =	sadd.s32 s0, s3;
	s0 =	sld [smem:$0x3F9E]  }
0x30: {  	s3 =	sld [smem:$0x3FA1]  }
0x31: {  	[smem:$0x3FAA] =	sst s10  }
0x32: {  	s10 =	sld [smem:$0x3FA8];
	_ =	sdelay $0x3  }
0x33: {  	p0 =	seq.s32 s10, $0x1;
	s10 =	sld [smem:$0x3FAA];
	_ =	sdelay $0x3  }
0x34: {  	[smem:$0x3FAA] =	sst s10  }
0x35: {  	s10 =	sld [smem:$0x3FA9];
	_ =	sdelay $0x3  }
0x36: {  	p1 =	seq.s32 s10, $0x1;
	s10 =	sld [smem:$0x3FAA];
	_ =	sdelay $0x3  }
0x37: {  	[smem:$0x3FAA] =	sst s10  }
0x38: {  	s10 =	sld [smem:$0x3FAB]  }
0x39: {  	_ = 	snop;
	(pc) =	sbr.ind lr, $3  }
0x3a: {  	_ = 	snop  }
0x3b: {  	_ = 	snop  }
0x3c: {  	p2 =	seq.s32 s10, $0x1;
	s10 =	sld [smem:$0x3FAA]  }
0x3d: {  	_ =	shalt  }
0x3e: {  	_ =	shalt  }
0x3f: {  	_ =	shalt  }
0x40: {  	_ =	shalt  }
0x41: {  	_ =	shalt  }
0x42: {  	_ =	shalt  }
0x43: {  	_ =	shalt  }
0x44: {  	_ =	shalt  }
0x45: {  	_ =	shalt  }
0x46: {  	_ =	shalt  }
0x47: {  	_ =	shalt  }
0x48: {  	_ =	shalt  }
0x49: {  	_ =	shalt  }
0x4a: {  	_ =	shalt  }
0x4b: {  	_ =	shalt  }
0x4c: {  	_ =	shalt  }
0x4d: {  	_ =	shalt  }
0x4e: {  	_ =	shalt  }
0x4f: {  	_ =	shalt  }
0x50: {  	_ =	shalt  }
0x51: {  	_ =	shalt  }
0x52: {  	_ =	shalt  }
0x53: {  	_ =	shalt  }
0x54: {  	_ =	shalt  }
0x55: {  	_ =	shalt  }
0x56: {  	_ =	shalt  }
0x57: {  	_ =	shalt  }
0x58: {  	_ =	shalt  }
0x59: {  	_ =	shalt  }
0x5a: {  	_ =	shalt  }
0x5b: {  	_ =	shalt  }
0x5c: {  	_ =	shalt  }
0x5d: {  	_ =	shalt  }
0x5e: {  	_ =	shalt  }
0x5f: {  	_ =	shalt  }
0x60: {  	_ =	shalt  }
0x61: {  	_ =	shalt  }
0x62: {  	_ =	shalt  }
0x63: {  	_ =	shalt  }
0x64: {  	_ =	shalt  }
0x65: {  	_ =	shalt  }
0x66: {  	_ =	shalt  }
0x67: {  	_ =	shalt  }
0x68: {  	_ =	shalt  }
0x69: {  	_ =	shalt  }
0x6a: {  	_ =	shalt  }
0x6b: {  	_ =	shalt  }
0x6c: {  	_ =	shalt  }
0x6d: {  	_ =	shalt  }
0x6e: {  	_ =	shalt  }
0x6f: {  	_ =	shalt  }
0x70: {  	_ =	shalt  }
0x71: {  	_ =	shalt  }
0x72: {  	_ =	shalt  }
0x73: {  	_ =	shalt  }
0x74: {  	_ =	shalt  }
0x75: {  	_ =	shalt  }
0x76: {  	_ =	shalt  }
0x77: {  	_ =	shalt  }
0x78: {  	_ =	shalt  }
0x79: {  	_ =	shalt  }
0x7a: {  	_ =	shalt  }
0x7b: {  	_ =	shalt  }
0x7c: {  	_ =	shalt  }
0x7d: {  	_ =	shalt  }
0x7e: {  	_ =	shalt  }
0x7f: {  	_ =	shalt  }
0x80: {  	_ =	shalt  }
0x81: {  	_ =	shalt  }
0x82: {  	_ =	shalt  }
0x83: {  	_ =	shalt  }
0x84: {  	_ =	shalt  }
0x85: {  	_ =	shalt  }
0x86: {  	_ =	shalt  }
0x87: {  	_ =	shalt  }
.Lfunc_end0:
.L_simem_size_0:
called_computation.4_lowered:
.L_overlay_start_0:
0x88: {  	s2 =	sld [smem:$0x3FD9]  }
0x89: {  	s3 =	sld [smem:$0x3FFE];
	_ =	sdelay $0x1  }
0x8a: {  	s1 =	srdreg.scid  }
0x8b: {  	s0 =	sand.u32 $0x1, s1  }
0x8c: {  	s16 =	sshll.u32 s0, $0xA;
	s2 =	sadd.s32 s3, s2  }
0x8d: {  	s2 =	sadd.s32 s2, s16  }
0x8e: {  	[smem:$0x3FB6] =	sst s2  }
0x8f: {  	_ = 	snop  }
0x90: {  	(tm) =	ssettm $0x1  }
0x91: {  	s17 =	sld [smem:$0x3FFB];
	_ =	sdelay $0x3  }
0x92: {  	_ =	strace s17  }
0x93: {  	s2 =	sld [smem:$0x3FFC];
	_ =	sdelay $0x3  }
0x94: {  	_ =	strace s2  }
0x95: {  	s2 =	sld [smem:$0x3FFD];
	_ =	sdelay $0x3  }
0x96: {  	_ =	strace s2  }
0x97: {  	_ =	strace $0x8FFFFFFF  }
0x98: {  	s18 =	sld [smem:$0x3FDB];
	_ =	sdelay $0x1  }
0x99: {  	s19 =	simm.s32 $_scs_section_size  }
0x9a: {  	s4 =	simm.s32 $_size__tile_overlayer_lowered;
	s5 =	simm.s32 $_tile_overlayer_lowered  }
0x9b: {  	s22 =	simm.s32 $0x1BFF;
	s21 =	sshll.u32 s5, $0x1;
	s2 =	sadd.s32 s19, s18  }
0x9c: {  	s6 =	simm.s32 $0x0;
	s20 =	sshll.u32 s4, $0x1;
	s4 =	sadd.s32 s21, s2  }
0x9d: {  	[timem:s6], [sflag:s22] =	dma.local [hbm:s4], s20  }
0x9e: {  	_ =	swait.ge [sflag:s22], s20  }
0x9f: {  	s3 =	ssub.s32 $0x0, s20;
	[sflag:s22] =	ssyncset.done $0x0  }
0xa0: {  	[sflag:s22] =	ssyncadd.s32 s3;
	_ =	sdelay $0x1  }
0xa1: {  	s23 =	simm.s32 $0x1B8B  }
0xa2: {  	_ =	swait.ge [sflag:s23], $0x1  }
0xa3: {  	[sflag:s23] =	ssyncset.done $0x0  }
0xa4: {  	s25 =	simm.s32 $0x1B8E;
	s24 =	sld [smem:$0x3FFE];
	[sflag:s23] =	ssyncadd.s32 $0xFFFFFFFF  }
0xa5: {  	s26 =	simm.s32 $execute0_lowered;
	[smem:$0x3FD2] =	sst s25  }
0xa6: {  	s4 =	sshll.u32 s26, $0x1;
	_ =	strace $0x80000052;
	[dreg:$0x1] =	wrdreg $0xFFFFFFFF  }
0xa7: {  	s28 =	simm.s32 $_size_execute0_lowered;
	s2 =	sadd.s32 s2, s4;
	[dreg:$0x0] =	wrdreg $0x0  }
0xa8: {  	s4 =	sshll.u32 s28, $0x1;
	[dreg:$0x2] =	wrdreg s2  }
0xa9: {  	[dreg:$0x3] =	wrdreg s4  }
0xaa: {  	[dreg:$0x4] =	wrdreg $0xC0  }
0xab: {  	_ =	task [dreg:s6], $0x5FFFF  }
0xac: {  	[dreg:$0x1] =	wrdreg $0xFFFFFFFF  }
0xad: {  	[dreg:$0x0] =	wrdreg $0x60  }
0xae: {  	[dreg:$0x2] =	wrdreg s24  }
0xaf: {  	[dreg:$0x3] =	wrdreg $0x0  }
0xb0: {  	[dreg:$0x4] =	wrdreg $0x9  }
0xb1: {  	_ =	task.clear_ibuf [dreg:s6], $0x5FFFF;
	_ =	strace $0x90000052  }
0xb2: {  	s29 =	simm.s32 $0x9;
	_ =	strace $0x80000054  }
0xb3: {  	_ =	swait.ge [sflag:s29], $0x1  }
0xb4: {  	[sflag:s29] =	ssyncadd.s32 $0xFFFFFFFF  }
0xb5: {  	_ =	strace $0x90000054  }
0xb6: {  	_ =	sfence  }
0xb7: {  	s30 =	sld [smem:$0x0];
	_ =	sdelay $0x2  }
0xb8: {  	s31 =	sshll.u32 s1, $0xD;
	s1 =	sshrl.u32 s1, $0x2  }
0xb9: {  	s3 =	sand.u32 $0x4000, s31;
	s1 =	sadd.s32 s1, s30  }
0xba: {  	s0 =	sor.u32 s3, s0;
	s1 =	sshll.u32 s1, $0x11  }
0xbb: {  	s0 =	sor.u32 s1, s0  }
0xbc: {  	s0 =	sadd.s32 $0x8F2B, s0  }
0xbd: {  	[sflag:s0] =	ssyncadd.remote.s32 $0x1  }
0xbe: {  	_ =	sfence.sel $0xFFFF  }
0xbf: {  	[dreg:$0x0] =	wrdreg $0xFFFFFFFF;
	(pc) =	sbr.abs _section_cstart, $3  }
0xc0: {  	[dreg:$0x1] =	wrdreg $0xFFFFFFFF  }
0xc1: {  	_ =	task.clear_ibuf [dreg:s6], $0x2FFFF;
	_ =	strace $0x9FFFFFFF  }
0xc2: {  	(tm) =	ssettm $0x7FFFFFFF  }
0xc3: {  	_ =	shalt  }
tec
execute0_lowered:
.L_overlay_start_1:
0x0: {  	(tag) =	ssettag $0x1  }
0x1: {  	s8 =	rddreg [dreg:$0x0]  }
0x2: {  	s2 =	rddreg [dreg:$0x1]  }
0x3: {  	s0 =	rddreg [dreg:$0x2];
	s1 =	stileid.u32  }
0x4: {  	s4 =	srdreg.scid;
	s3 =	simm.s32 $0x0;
	s13 =	simm.s32 $0x36800  }
0x5: {  	s5 =	smul.u32 $0x13C00, s1;
	s6 =	sand.u32 $0x1, s4;
	[smem:$0x7FF] =	sst s3  }
0x6: {  	s26 =	sshll.u32 s1, $0x4;
	s29 =	smul.u32 $0x4F000, s1;
	s31 =	sshll.u32 s1, $0x6  }
0x7: {  	s7 =	smul.u32 $0x13C000, s6;
	_ =	strace $0x80000053;
	s10 =	sadd.s32 s26, s8  }
0x8: {  	s9 =	ssub.s32 $0x2, s6;
	p0 =	seq.s32 s6, $0x1;
	s28 =	sshrl.u32 s5, $0x3  }
0x9: {  	s30 =	sshrl.u32 s9, $0x1;
	s13 =	simm.s32 @!p0 $0xF600;
	s5 =	sadd.s32 s5, s7  }
0xa: {  	s4 =	sadd.s32 s28, s8;
	s7 =	sshrl.u32 s29, $0x2;
	s9 =	ssub.s32 s9, s30  }
0xb: {  	s5 =	sshrl.u32 s5, $0x3;
	s12 =	sadd.s32 s7, s2;
	s4 =	sadd.s32 $0x5DA00, s4  }
0xc: {  	s7 =	smax.u32 s9, $0x1;
	s9 =	sadd.s32 $0x5600, s10;
	s10 =	sadd.s32 $0xA600, s10  }
0xd: {  	s11 =	sadd.s32 s5, s8;
	s5 =	sor.u32 $0x1C02, s31;
	s8 =	sadd.s32 s13, s8  }
0xe: {  	s6 =	sadd.s32 $0x85200, s11;
	s11 =	sshrl.u32 s12, $0x3;
	s12 =	simm.s32 $0x2  }
.LBB2_1:
0xf: {  	[spmem:s11], [sflag:s5] =	dma.local [hbm:s4], $0x2780  }
0x10: {  	_ =	swait.ge [sflag:s12], $0x2780  }
0x11: {  	p0 =	sgt.u32 s1, $0x4E1;
	[sflag:s12] =	ssyncset.done $0x0  }
0x12: {  	s13 =	sadd.s32 @!p0 $0x0, s10;
	s14 =	simm.s32 @!p0 $0x0;
	[sflag:s12] =	ssyncadd.s32 $0xFFFFD880  }
0x13: {  	s15 =	simm.s32 @!p0 $0x13C00;
	s16 =	simm.s32 @!p0 $0x3;
	[bflag:$0x0] =	sbarrier.arrive $0xFFFF  }
0x14: {  	[tilespmem:s15], [sflag:$0x3] =	stream.linear.gather @!p0 [hbm4b:s13+s14], $0x80, $0x38;
	[tilespmem:$0x17D00] =	vst v63  }
0x15: {  	_ =	swait.ge @!p0 [sflag:s16], $0x80  }
0x16: {  	[sflag:s16] =	ssyncset.done @!p0 $0x0  }
0x17: {  	s17 =	simm.s32 @!p0 $0x13C80;
	s13 =	sadd.s32 @!p0 $0x0, s9;
	[sflag:s16] =	ssyncadd.s32 @!p0 $0xFFFFFF80  }
0x18: {  	[tilespmem:s17], [sflag:$0x3] =	stream.linear.gather @!p0 [hbm4b:s13+s14], $0x80, $0x38;
	[tilespmem:$0x17D00] =	vst v63  }
0x19: {  	_ =	swait.ge @!p0 [sflag:s16], $0x80;
	p0 =	por p0, p0  }
0x1a: {  	[sflag:s16] =	ssyncset.done @!p0 $0x0;
	s13 =	simm.s32 @!p0 $0x80  }
0x1b: {  	s14 =	simm.s32 @!p0 $0x13D00;
	[sflag:s16] =	ssyncadd.s32 @!p0 $0xFFFFFF80;
	s16 =	simm.s32 @!p0 $0x1  }
0x1c: {  	[tilespmem:s14], [sflag:$0x1] =	stream.indirect.gather @!p0 [hbm4b:s8+s13], $0x80, s15, s13, $0xb8;
	[tilespmem:$0x17D00] =	vst v63  }
0x1d: {  	_ =	swait.ge @!p0 [sflag:s16], $0x4000  }
0x1e: {  	[sflag:s16] =	ssyncset.done @!p0 $0x0  }
0x1f: {  	[sflag:s16] =	ssyncadd.s32 @!p0 $0xFFFFC000  }
0x20: {  	[spmem:s2] =	stream.indirect.scatter.add.f32 @!p0 [tilespmem:s14], [sflag:$0x2], $0x80, s17, s13, $0xb8;
	[tilespmem:$0x17D00] =	vst v63  }
0x21: {  	s15 =	simm.s32 $0x200;
	s16 =	simm.s32 @!p0 $0x2;
	s14 =	sadd.s32 $0x10, s1  }
0x22: {  	s13 =	simm.s32 $0x100;
	p1 =	sgt.u32 s14, $0x4E1;
	_ =	swait.ge @!p0 [sflag:s16], $0x4000  }
.LBB2_2:
0x23: {  	s17 =	sadd.s32 @!p1 s13, s10;
	s18 =	simm.s32 @!p1 $0x0;
	[sflag:s16] =	ssyncset.done @!p0 $0x0  }
0x24: {  	s19 =	simm.s32 @!p1 $0x13C00;
	s20 =	simm.s32 @!p1 $0x3;
	[sflag:s16] =	ssyncadd.s32 @!p0 $0xFFFFC000  }
0x25: {  	[tilespmem:s19], [sflag:$0x3] =	stream.linear.gather @!p1 [hbm4b:s17+s18], $0x80, $0x38;
	[tilespmem:$0x17D00] =	vst v63  }
0x26: {  	s16 =	smov.u32 s15;
	s15 =	sadd.s32 $0x100, s15;
	_ =	swait.ge @!p1 [sflag:s20], $0x80  }
0x27: {  	s21 =	simm.s32 @!p1 $0x13C80;
	s17 =	sadd.s32 @!p1 s13, s9;
	[sflag:s20] =	ssyncset.done @!p1 $0x0  }
0x28: {  	p2 =	sne.s32 s15, $0x4F00;
	s13 =	smov.u32 s16;
	[sflag:s20] =	ssyncadd.s32 @!p1 $0xFFFFFF80  }
0x29: {  	[tilespmem:s21], [sflag:$0x3] =	stream.linear.gather @!p1 [hbm4b:s17+s18], $0x80, $0x38;
	[tilespmem:$0x17D00] =	vst v63  }
0x2a: {  	p0 =	por p1, p1;
	_ =	swait.ge @!p1 [sflag:s20], $0x80  }
0x2b: {  	s17 =	simm.s32 @!p0 $0x80;
	s18 =	simm.s32 @!p0 $0x13D00;
	[sflag:s20] =	ssyncset.done @!p0 $0x0  }
0x2c: {  	s16 =	simm.s32 @!p0 $0x1;
	[sflag:s20] =	ssyncadd.s32 @!p0 $0xFFFFFF80  }
0x2d: {  	[tilespmem:s18], [sflag:$0x1] =	stream.indirect.gather @!p0 [hbm4b:s8+s17], $0x80, s19, s17, $0xb8;
	[tilespmem:$0x17D00] =	vst v63  }
.Ltmp0:
0x2e: {  	_ =	swait.ge @!p0 [sflag:s16], $0x4000;
	(pc) =	sbr.rel @p2 .LBB2_2-.Ltmp0, $4  }
0x2f: {  	[sflag:s16] =	ssyncset.done @!p0 $0x0  }
0x30: {  	s14 =	sadd.s32 $0x10, s14;
	[sflag:s16] =	ssyncadd.s32 @!p0 $0xFFFFC000;
	s16 =	simm.s32 @!p0 $0x2  }
0x31: {  	[spmem:s2] =	stream.indirect.scatter.add.f32 @!p0 [tilespmem:s18], [sflag:$0x2], $0x80, s21, s17, $0xb8;
	[tilespmem:$0x17D00] =	vst v63  }
0x32: {  	p1 =	sgt.u32 s14, $0x4E1;
	_ =	swait.ge @!p0 [sflag:s16], $0x4000  }
0x33: {  	s14 =	sadd.s32 @!p1 s13, s10;
	s15 =	simm.s32 @!p1 $0x0;
	[sflag:s16] =	ssyncset.done @!p0 $0x0  }
0x34: {  	s17 =	simm.s32 @!p1 $0x13C00;
	s18 =	simm.s32 @!p1 $0x3;
	[sflag:s16] =	ssyncadd.s32 @!p0 $0xFFFFC000  }
0x35: {  	[tilespmem:s17], [sflag:$0x3] =	stream.linear.gather @!p1 [hbm4b:s14+s15], $0x80, $0x38;
	[tilespmem:$0x17D00] =	vst v63  }
0x36: {  	_ =	swait.ge @!p1 [sflag:s18], $0x80  }
0x37: {  	[sflag:s18] =	ssyncset.done @!p1 $0x0  }
0x38: {  	s13 =	sadd.s32 @!p1 s13, s9;
	s14 =	simm.s32 @!p1 $0x13C80;
	[sflag:s18] =	ssyncadd.s32 @!p1 $0xFFFFFF80  }
0x39: {  	[tilespmem:s14], [sflag:$0x3] =	stream.linear.gather @!p1 [hbm4b:s13+s15], $0x80, $0x38;
	[tilespmem:$0x17D00] =	vst v63  }
0x3a: {  	p0 =	por p1, p1;
	_ =	swait.ge @!p1 [sflag:s18], $0x80  }
0x3b: {  	s16 =	simm.s32 @!p0 $0x1;
	[sflag:s18] =	ssyncset.done @!p0 $0x0  }
0x3c: {  	s13 =	simm.s32 @!p0 $0x80;
	s15 =	simm.s32 @!p0 $0x13D00;
	[sflag:s18] =	ssyncadd.s32 @!p0 $0xFFFFFF80  }
0x3d: {  	[tilespmem:s15], [sflag:$0x1] =	stream.indirect.gather @!p0 [hbm4b:s8+s13], $0x80, s17, s13, $0xb8;
	[tilespmem:$0x17D00] =	vst v63  }
0x3e: {  	_ =	swait.ge @!p0 [sflag:s16], $0x4000  }
0x3f: {  	[sflag:s16] =	ssyncset.done @!p0 $0x0  }
0x40: {  	[sflag:s16] =	ssyncadd.s32 @!p0 $0xFFFFC000;
	s16 =	simm.s32 @!p0 $0x2  }
0x41: {  	[spmem:s2] =	stream.indirect.scatter.add.f32 @!p0 [tilespmem:s15], [sflag:$0x2], $0x80, s14, s13, $0xb8;
	[tilespmem:$0x17D00] =	vst v63  }
0x42: {  	_ =	swait.ge @!p0 [sflag:s16], $0x4000  }
0x43: {  	s3 =	sadd.s32 $0x1, s3;
	[sflag:s16] =	ssyncset.done @!p0 $0x0  }
0x44: {  	[sflag:s16] =	ssyncadd.s32 @!p0 $0xFFFFC000;
	p0 =	sne.s32 s3, s7  }
.Ltmp1:
0x45: {  	[bflag:$0x0] =	sbarrier.arrive $0xFFFF;
	(pc) =	sbr.rel @p0 .LBB2_1-.Ltmp1, $4  }
0x46: {  	[hbm:s6], [sflag:s5] =	dma.local [spmem:s11], $0x2780  }
0x47: {  	_ =	swait.ge [sflag:s12], $0x2780  }
0x48: {  	[sflag:s12] =	ssyncset.done $0x0  }
0x49: {  	[sflag:s12] =	ssyncadd.s32 $0xFFFFD880  }
0x4a: {  	_ =	sfence.sel $0x180000  }
0x4b: {  	[bflag:$0x0] =	sbarrier.arrive $0xFFFF  }
0x4c: {  	p0 =	sne.s32 s1, $0x0;
	_ =	strace $0x90000053  }
0x4d: {  	s0 =	sadd.s32 @!p0 $0x100000, s0;
	[bflag:$0x2] =	sbarrier.arrive $0xFFFF  }
0x4e: {  	[sflag:s0] =	ssyncadd.tile.s32 @!p0 $0x1;
	_ =	shalt  }
.Lfunc_end2:
_tile_overlayer_lowered:
.L_overlay_start_2:
0x4f: {  	(tag) =	ssettag $0x2  }
0x50: {  	s0 =	rddreg [dreg:$0x0];
	s2 =	stileid.u32  }
0x51: {  	s1 =	rddreg [dreg:$0x1];
	p0 =	sne.s32 s2, $0x0  }
0x52: {  	s3 =	rddreg [dreg:$0x2];
	[bflag:$0x3] =	sbarrier.arrive $0xFFFF;
	s2 =	simm.s32 @!p0 $0x1C02  }
0x53: {  	[timem:s3], [sflag:s2] =	dma.local @!p0 [hbm:s0], s1  }
0x54: {  	s0 =	simm.s32 @!p0 $0x2  }
0x55: {  	_ =	swait.ge @!p0 [sflag:s0], s1  }
0x56: {  	s1 =	ssub.s32 @!p0 $0x0, s1;
	[sflag:s0] =	ssyncset.done @!p0 $0x0  }
0x57: {  	[sflag:s0] =	ssyncadd.s32 @!p0 s1  }
0x58: {  	[bflag:$0x3] =	sbarrier.arrive $0xFFFF  }
0x59: {  	_ =	shalt  }

</sc_bundles>
